<compile_context>
chip_gen: v7x
topology: tpu7x:2x2x1
jax: 0.10.2.dev20260603
libtpu: 0.0.44.dev20260713+nightly
codegen_flags: <defaults>
</compile_context>

<pallas_src>
import numpy as np
import jax
import jax.numpy as jnp
from jax.experimental import pallas as pl

EDGE_F = 256
NODE_F = 256
NUM_POS = 16
NUM_RBF = 16
TOP_K = 30
KNN_R = 256
EDGE_R = 64


def _norm3(c0, c1, c2, eps=1e-12):
    n = jnp.sqrt(c0 * c0 + c1 * c1 + c2 * c2)
    n = jnp.maximum(n, eps)
    return c0 / n, c1 / n, c2 / n


def _cross3(a, b):
    return (a[1] * b[2] - a[2] * b[1],
            a[2] * b[0] - a[0] * b[2],
            a[0] * b[1] - a[1] * b[0])


def _dot3(a, b):
    return a[0] * b[0] + a[1] * b[1] + a[2] * b[2]


def _cols(x):
    return (x[:, 0:1], x[:, 1:2], x[:, 2:3])


def _knn_kernel(xallT_ref, xrow_ref, mall_ref, mrow_ref, dn_ref, idx_ref):
    xallT = xallT_ref[0]
    xrow = xrow_ref[0]
    L = xallT.shape[1]
    R = xrow.shape[0]

    d2 = jnp.zeros((R, L), jnp.float32)
    for j in range(3):
        dj = xrow[:, j:j + 1] - xallT[j:j + 1, :]
        d2 = d2 + dj * dj
    mall = mall_ref[0]
    mrow = mrow_ref[0]
    m2 = mrow * mall
    D = m2 * jnp.sqrt(d2 + 1e-6)
    Dmax = jnp.max(D, axis=-1, keepdims=True)
    work = D + (1.0 - m2) * Dmax

    iota = jax.lax.broadcasted_iota(jnp.int32, (R, L), 1)
    vals = []
    idxs = []
    for _ in range(TOP_K):
        mv = jnp.min(work, axis=-1, keepdims=True)
        eq = work == mv
        ik = jnp.min(jnp.where(eq, iota, L), axis=-1, keepdims=True)
        vals.append(mv)
        idxs.append(ik)
        work = jnp.where(iota == ik, jnp.float32(np.inf), work)
    dn_ref[0] = jnp.concatenate(vals, axis=1)
    idx_ref[0] = jnp.concatenate(idxs, axis=1)


def _node_kernel(xn_ref, xca_ref, xc_ref, wn_ref, bn_ref, gn_ref,
                 betan_ref, v_ref, o_ref):
    xn = xn_ref[0]
    xca = xca_ref[0]
    xc = xc_ref[0]
    L = xn.shape[0]

    p0, p1, p2 = _cols(xn), _cols(xca), _cols(xc)
    d0 = _norm3(p1[0] - p0[0], p1[1] - p0[1], p1[2] - p0[2])
    d1 = _norm3(p2[0] - p1[0], p2[1] - p1[1], p2[2] - p1[2])
    zc = jnp.zeros((1, 1), jnp.float32)
    p0s = tuple(jnp.concatenate([c[1:], zc], axis=0) for c in p0)
    d2 = _norm3(p0s[0] - p2[0], p0s[1] - p2[1], p0s[2] - p2[2])
    d2m = tuple(jnp.concatenate([zc, c[:-1]], axis=0) for c in d2)

    n_a = _norm3(*_cross3(d2m, d0))
    n_b = _norm3(*_cross3(d0, d1))
    n_c = _norm3(*_cross3(d1, d2))
    n_d = _norm3(*_cross3(d2, _shift_up3(d0)))

    riota = jax.lax.broadcasted_iota(jnp.int32, (L, 1), 0)
    first = riota == 0
    last = riota == (L - 1)

    def angle(nb2, nb1, u2, invalid):
        cosd = jnp.clip(_dot3(nb2, nb1), -1.0 + 1e-7, 1.0 - 1e-7)
        sgn = jnp.sign(_dot3(u2, nb1))
        sind = sgn * jnp.sqrt(1.0 - cosd * cosd)
        cosd = jnp.where(invalid, 1.0, cosd)
        sind = jnp.where(invalid, 0.0, sind)
        return cosd, sind

    c0, s0 = angle(n_a, n_b, d2m, first)
    c1, s1 = angle(n_b, n_c, d0, last)
    c2, s2 = angle(n_c, n_d, d1, last)
    vfeat = jnp.concatenate([c0, c1, c2, s0, s1, s2], axis=-1)

    nca = _norm3(p1[0] - p0[0], p1[1] - p0[1], p1[2] - p0[2])
    cac = _norm3(p2[0] - p1[0], p2[1] - p1[1], p2[2] - p1[2])
    n1 = _norm3(*_cross3(nca, cac))
    bv = _norm3(cac[0] - nca[0], cac[1] - nca[1], cac[2] - nca[2])
    xax = _norm3(*_cross3(bv, n1))
    o_ref[0] = jnp.concatenate(list(bv) + list(n1) + list(xax), axis=-1)

    h = jnp.dot(vfeat, wn_ref[...], preferred_element_type=jnp.float32)
    h = h + bn_ref[...]
    mu = jnp.mean(h, axis=-1, keepdims=True)
    var = jnp.mean((h - mu) ** 2, axis=-1, keepdims=True)
    v_ref[0] = (h - mu) / jnp.sqrt(var + 1e-5) * gn_ref[...] + betan_ref[...]


def _shift_up3(t):
    zc = jnp.zeros((1, 1), jnp.float32)
    return tuple(jnp.concatenate([c[1:], zc], axis=0) for c in t)


def _edge_kernel(dn_ref, idx_ref, ii_ref, otab_ref, xtab_ref, oc_ref,
                 xc_ref, we_ref, be_ref, ge_ref, betae_ref, e_ref):
    idx = idx_ref[0]
    E = idx.shape[1]
    otab = otab_ref[0]
    xtab = xtab_ref[0]
    L = otab.shape[1]

    table = jnp.concatenate([otab, xtab], axis=0)
    iota = jax.lax.broadcasted_iota(jnp.int32, (L, E), 0)
    oh = (iota == idx).astype(jnp.float32)
    g = jnp.dot(table, oh, preferred_element_type=jnp.float32,
                precision=jax.lax.Precision.HIGHEST)

    onb = [g[m:m + 1, :] for m in range(9)]
    xnb = [g[9 + j:10 + j, :] for j in range(3)]

    oc = oc_ref[0]
    xcc = xc_ref[0]
    dxn = [xnb[j] - xcc[j:j + 1, :] for j in range(3)]

    def rb(x):
        return x.astype(jnp.bfloat16).astype(jnp.float32)

    ocb = rb(oc)
    onbb = [rb(m) for m in onb]
    dxnb = [rb(dx) for dx in dxn]
    du = []
    for p in range(3):
        du.append(ocb[3 * p + 0:3 * p + 1, :] * dxnb[0]
                  + ocb[3 * p + 1:3 * p + 2, :] * dxnb[1]
                  + ocb[3 * p + 2:3 * p + 3, :] * dxnb[2])
    dun = jnp.maximum(jnp.sqrt(du[0] ** 2 + du[1] ** 2 + du[2] ** 2), 1e-12)
    du = [d / dun for d in du]

    r = {}
    for p in range(3):
        for q in range(3):
            r[(p, q)] = (ocb[0 + p:1 + p, :] * onbb[0 + q]
                         + ocb[3 + p:4 + p, :] * onbb[3 + q]
                         + ocb[6 + p:7 + p, :] * onbb[6 + q])
    r00, r11, r22 = r[(0, 0)], r[(1, 1)], r[(2, 2)]
    mx = 0.5 * jnp.sqrt(jnp.abs(1.0 + (r00 - r11 - r22) + 1e-10))
    my = 0.5 * jnp.sqrt(jnp.abs(1.0 + (-r00 + r11 - r22) + 1e-10))
    mz = 0.5 * jnp.sqrt(jnp.abs(1.0 + (-r00 - r11 + r22) + 1e-10))
    qx = jnp.sign(r[(2, 1)] - r[(1, 2)]) * mx
    qy = jnp.sign(r[(0, 2)] - r[(2, 0)]) * my
    qz = jnp.sign(r[(1, 0)] - r[(0, 1)]) * mz
    qw = jnp.sqrt(jax.nn.relu(1.0 + r00 + r11 + r22)) / 2.0
    qn = jnp.maximum(jnp.sqrt(qx * qx + qy * qy + qz * qz + qw * qw), 1e-12)
    qx, qy, qz, qw = qx / qn, qy / qn, qz / qn, qw / qn

    dnb = dn_ref[0]
    sigma = 20.0 / NUM_RBF
    rbf = [jnp.exp(-(((dnb - (20.0 * t / (NUM_RBF - 1))) / sigma) ** 2))
           for t in range(NUM_RBF)]

    dpos = idx.astype(jnp.float32) - ii_ref[0]
    freqs = np.exp(np.arange(0, NUM_POS, 2, dtype=np.float32)
                   * -(np.log(10000.0) / NUM_POS))
    cosp = [jnp.cos(dpos * float(f)) for f in freqs]
    sinp = [jnp.sin(dpos * float(f)) for f in freqs]

    feats = cosp + sinp + rbf + du + [qx, qy, qz, qw]
    F = jnp.concatenate(feats, axis=0)

    h = jnp.dot(we_ref[...], F, preferred_element_type=jnp.float32)
    h = h + be_ref[...]
    mu = jnp.mean(h, axis=0, keepdims=True)
    var = jnp.mean((h - mu) ** 2, axis=0, keepdims=True)
    e_ref[0] = (h - mu) / jnp.sqrt(var + 1e-5) * ge_ref[...] + betae_ref[...]


def kernel(X, mask, Wn, bn, gn, betan, We, be, ge, betae):
    B, L = X.shape[0], X.shape[1]
    K = TOP_K
    X_ca = X[:, :, 1, :]
    X_caT = jnp.swapaxes(X_ca, 1, 2)
    mall = mask.reshape(B, 1, L)
    mcol = mask.reshape(B, L, 1)

    dn, eidx = pl.pallas_call(
        _knn_kernel,
        grid=(B, L // KNN_R),
        in_specs=[
            pl.BlockSpec((1, 3, L), lambda b, i: (b, 0, 0)),
            pl.BlockSpec((1, KNN_R, 3), lambda b, i: (b, i, 0)),
            pl.BlockSpec((1, 1, L), lambda b, i: (b, 0, 0)),
            pl.BlockSpec((1, KNN_R, 1), lambda b, i: (b, i, 0)),
        ],
        out_specs=[
            pl.BlockSpec((1, KNN_R, K), lambda b, i: (b, i, 0)),
            pl.BlockSpec((1, KNN_R, K), lambda b, i: (b, i, 0)),
        ],
        out_shape=[
            jax.ShapeDtypeStruct((B, L, K), jnp.float32),
            jax.ShapeDtypeStruct((B, L, K), jnp.int32),
        ],
    )(X_caT, X_ca, mall, mcol)

    Xn = X[:, :, 0, :]
    Xc = X[:, :, 2, :]
    V, O = pl.pallas_call(
        _node_kernel,
        grid=(B,),
        in_specs=[
            pl.BlockSpec((1, L, 3), lambda b: (b, 0, 0)),
            pl.BlockSpec((1, L, 3), lambda b: (b, 0, 0)),
            pl.BlockSpec((1, L, 3), lambda b: (b, 0, 0)),
            pl.BlockSpec((6, NODE_F), lambda b: (0, 0)),
            pl.BlockSpec((1, NODE_F), lambda b: (0, 0)),
            pl.BlockSpec((1, NODE_F), lambda b: (0, 0)),
            pl.BlockSpec((1, NODE_F), lambda b: (0, 0)),
        ],
        out_specs=[
            pl.BlockSpec((1, L, NODE_F), lambda b: (b, 0, 0)),
            pl.BlockSpec((1, L, 9), lambda b: (b, 0, 0)),
        ],
        out_shape=[
            jax.ShapeDtypeStruct((B, L, NODE_F), jnp.float32),
            jax.ShapeDtypeStruct((B, L, 9), jnp.float32),
        ],
    )(Xn, X_ca, Xc, Wn, bn.reshape(1, NODE_F), gn.reshape(1, NODE_F),
      betan.reshape(1, NODE_F))

    EB = EDGE_R * K
    dn_f = dn.reshape(B, 1, L * K)
    idx_f = eidx.reshape(B, 1, L * K)
    ii_f = jnp.repeat(jnp.arange(L, dtype=jnp.float32), K).reshape(1, 1, L * K)
    OT = jnp.swapaxes(O, 1, 2)
    OcT = jnp.repeat(OT, K, axis=2)
    XcT = jnp.repeat(X_caT, K, axis=2)

    nfe = NUM_POS + NUM_RBF + 7
    E = pl.pallas_call(
        _edge_kernel,
        grid=(B, (L * K) // EB),
        in_specs=[
            pl.BlockSpec((1, 1, EB), lambda b, i: (b, 0, i)),
            pl.BlockSpec((1, 1, EB), lambda b, i: (b, 0, i)),
            pl.BlockSpec((1, 1, EB), lambda b, i: (0, 0, i)),
            pl.BlockSpec((1, 9, L), lambda b, i: (b, 0, 0)),
            pl.BlockSpec((1, 3, L), lambda b, i: (b, 0, 0)),
            pl.BlockSpec((1, 9, EB), lambda b, i: (b, 0, i)),
            pl.BlockSpec((1, 3, EB), lambda b, i: (b, 0, i)),
            pl.BlockSpec((EDGE_F, nfe), lambda b, i: (0, 0)),
            pl.BlockSpec((EDGE_F, 1), lambda b, i: (0, 0)),
            pl.BlockSpec((EDGE_F, 1), lambda b, i: (0, 0)),
            pl.BlockSpec((EDGE_F, 1), lambda b, i: (0, 0)),
        ],
        out_specs=pl.BlockSpec((1, EDGE_F, EB), lambda b, i: (b, 0, i)),
        out_shape=jax.ShapeDtypeStruct((B, EDGE_F, L * K), jnp.float32),
    )(dn_f, idx_f, ii_f, OT, X_caT, OcT, XcT, We.T, be.reshape(EDGE_F, 1),
      ge.reshape(EDGE_F, 1), betae.reshape(EDGE_F, 1))

    return V, jnp.swapaxes(E, 1, 2).reshape(B, L, K, EDGE_F), eidx

# --- scband reference (transcript-rebuilt; emitter-appended) ---
"""Pipeline reference for scband-protein-features-12335146074491 (READ-ONLY COPY).

The authoritative reference and input builder live on the scoring server;
editing this copy changes nothing except your own understanding.
"""

import jax, jax.numpy as jnp
import numpy as np

EDGE_F = 256
NODE_F = 256
NUM_POS = 16
NUM_RBF = 16
TOP_K = 30

def _normalize(v, axis=-1, eps=1e-12):
    n = jnp.sqrt(jnp.sum(v * v, axis=axis, keepdims=True))
    return v / jnp.maximum(n, eps)

def _layernorm(x, g, b, eps=1e-5):
    mu = jnp.mean(x, -1, keepdims=True)
    var = jnp.mean((x - mu) ** 2, -1, keepdims=True)
    return (x - mu) / jnp.sqrt(var + eps) * g + b

def _quaternions(R, eps=1e-10):
    diag = jnp.diagonal(R, axis1=-2, axis2=-1)
    Rxx, Ryy, Rzz = diag[..., 0], diag[..., 1], diag[..., 2]
    mags = 0.5 * jnp.sqrt(jnp.abs(1 + jnp.stack([Rxx - Ryy - Rzz, -Rxx + Ryy - Rzz, -Rxx - Ryy + Rzz], -1) + eps))
    signs = jnp.sign(jnp.stack([R[..., 2, 1] - R[..., 1, 2], R[..., 0, 2] - R[..., 2, 0], R[..., 1, 0] - R[..., 0, 1]], -1))
    xyz = signs * mags
    w = jnp.sqrt(jax.nn.relu(1 + jnp.sum(diag, -1, keepdims=True))) / 2.0
    return _normalize(jnp.concatenate((xyz, w), -1))

def _forward(X, mask, Wn, bn, gn, betan, We, be, ge, betae):
    B, L = X.shape[0], X.shape[1]
    X_ca = X[:, :, 1, :]
    # kNN extraction on CA coordinates
    mask_2D = mask[:, None, :] * mask[:, :, None]
    dXp = X_ca[:, None, :, :] - X_ca[:, :, None, :]
    D = mask_2D * jnp.sqrt(jnp.sum(dXp ** 2, -1) + 1e-6)
    D_max = jnp.max(D, -1, keepdims=True)
    D_adjust = D + (1.0 - mask_2D) * D_max
    negv, E_idx = jax.lax.top_k(-D_adjust, TOP_K)
    D_neighbors = -negv
    bi = jnp.arange(B)[:, None, None]
    # RBF edge features
    D_mu = jnp.linspace(0.0, 20.0, NUM_RBF)
    D_sigma = 20.0 / NUM_RBF
    RBF = jnp.exp(-(((D_neighbors[..., None] - D_mu) / D_sigma) ** 2))
    # backbone dihedral node features (dim 6)
    Xb = X[:, :, :3, :].reshape(B, 3 * L, 3)
    dXb = Xb[:, 1:] - Xb[:, :-1]
    U = _normalize(dXb)
    u_2, u_1, u_0 = U[:, :-2], U[:, 1:-1], U[:, 2:]
    nb_2 = _normalize(jnp.cross(u_2, u_1))
    nb_1 = _normalize(jnp.cross(u_1, u_0))
    cosDih = jnp.clip(jnp.sum(nb_2 * nb_1, -1), -1 + 1e-7, 1 - 1e-7)
    Dih = jnp.sign(jnp.sum(u_2 * nb_1, -1)) * jnp.arccos(cosDih)
    Dih = jnp.pad(Dih, ((0, 0), (1, 2))).reshape(B, L, 3)
    Vfeat = jnp.concatenate((jnp.cos(Dih), jnp.sin(Dih)), -1)
    # residue-frame relative orientation edge features (dim 7 = 3 + 4)
    N_CA = _normalize(X[:, :, 1, :] - X[:, :, 0, :])
    CA_C = _normalize(X[:, :, 2, :] - X[:, :, 1, :])
    n_1 = _normalize(jnp.cross(N_CA, CA_C))
    bvec = _normalize(CA_C - N_CA)
    xax = _normalize(jnp.cross(bvec, n_1))
    O = jnp.stack((bvec, n_1, xax), 2).reshape(B, L, 9)
    O_nb = O[bi, E_idx]
    X_nb = X_ca[bi, E_idx]
    Om = O.reshape(B, L, 3, 3)
    O_nbm = O_nb.reshape(B, L, TOP_K, 3, 3)
    dXn = X_nb - X_ca[:, :, None, :]
    dU = jnp.squeeze(jnp.matmul(Om[:, :, None], dXn[..., None]), -1)
    dU = _normalize(dU)
    R = jnp.matmul(jnp.swapaxes(Om[:, :, None], -1, -2), O_nbm)
    Q = _quaternions(R)
    O_features = jnp.concatenate((dU, Q), -1)
    # differential positional encodings (dim 16)
    ii = jnp.arange(L, dtype=jnp.float32)[None, :, None]
    dpos = (E_idx.astype(jnp.float32) - ii)[..., None]
    freq = jnp.exp(jnp.arange(0, NUM_POS, 2, dtype=jnp.float32) * -(np.log(10000.0) / NUM_POS))
    ang = dpos * freq
    E_pos = jnp.concatenate((jnp.cos(ang), jnp.sin(ang)), -1)
    E = jnp.concatenate((E_pos, RBF, O_features), -1)
    V = _layernorm(Vfeat @ Wn + bn, gn, betan)
    E = _layernorm(E @ We + be, ge, betae)
    return V, E, E_idx

def setup_inputs(seed: int = 0):
    key = jax.random.key(seed)
    ks = jax.random.split(key, 4)
    B, L = 8, 1024
    X = jax.random.normal(ks[0], (B, L, 4, 3), dtype=jnp.float32)
    mask = jnp.ones((B, L), dtype=jnp.float32)
    Wn = jax.random.normal(ks[1], (6, NODE_F), dtype=jnp.float32) * 0.1
    bn = jnp.zeros((NODE_F,), jnp.float32)
    gn = jnp.ones((NODE_F,), jnp.float32)
    betan = jnp.zeros((NODE_F,), jnp.float32)
    We = jax.random.normal(ks[2], (NUM_POS + NUM_RBF + 7, EDGE_F), dtype=jnp.float32) * 0.1
    be = jnp.zeros((EDGE_F,), jnp.float32)
    ge = jnp.ones((EDGE_F,), jnp.float32)
    betae = jnp.zeros((EDGE_F,), jnp.float32)
    return {"X": X, "mask": mask, "Wn": Wn, "bn": bn, "gn": gn, "betan": betan, "We": We, "be": be, "ge": ge, "betae": betae}

def reference(X, mask, Wn, bn, gn, betan, We, be, ge, betae):
    return _forward(X, mask, Wn, bn, gn, betan, We, be, ge, betae)

if __name__ == "__main__":
    import jax
    _d = setup_inputs()
    print(jax.jit(kernel)(*tuple(_d.values())))

</pallas_src>

<mosaic_0001>
module attributes {stable_mosaic.version = 14 : i64} {
  func.func @_knn_kernel(%arg0: i32, %arg1: i32, %arg2: memref<1x3x1024xf32, #tpu.memory_space<vmem>>, %arg3: memref<1x256x3xf32, #tpu.memory_space<vmem>>, %arg4: memref<1x1x1024xf32, #tpu.memory_space<vmem>>, %arg5: memref<1x256x1xf32, #tpu.memory_space<vmem>>, %arg6: memref<1x256x30xf32, #tpu.memory_space<vmem>>, %arg7: memref<1x256x30xi32, #tpu.memory_space<vmem>>) attributes {dimension_semantics = [#tpu.dimension_semantics<arbitrary>, #tpu.dimension_semantics<arbitrary>], iteration_bounds = array<i64: 8, 4>, scalar_prefetch = 0 : i64, scratch_operands = 0 : i64, tpu.core_type = #tpu.core_type<tc>, window_params = [{transform_indices = @transform_0, window_bounds = array<i64: 1, 3, 1024>}, {transform_indices = @transform_1, window_bounds = array<i64: 1, 256, 3>}, {transform_indices = @transform_2, window_bounds = array<i64: 1, 1, 1024>}, {transform_indices = @transform_3, window_bounds = array<i64: 1, 256, 1>}, {transform_indices = @transform_4, window_bounds = array<i64: 1, 256, 30>}, {transform_indices = @transform_5, window_bounds = array<i64: 1, 256, 30>}]} {
    %get3A = arith.constant 0 : index
    %get3A_0 = arith.constant 0 : index
    %get3A_1 = arith.constant 0 : index
    %get3A_2 = vector.load %arg2[%get3A, %get3A_0, %get3A_1] : memref<1x3x1024xf32, #tpu.memory_space<vmem>>, vector<1x3x1024xf32>
    %get3A_3 = vector.shape_cast %get3A_2 : vector<1x3x1024xf32> to vector<3x1024xf32>
    %get3A_4 = arith.constant 0 : index
    %get3A_5 = arith.constant 0 : index
    %get3A_6 = arith.constant 0 : index
    %get3A_7 = vector.load %arg3[%get3A_4, %get3A_5, %get3A_6] : memref<1x256x3xf32, #tpu.memory_space<vmem>>, vector<1x256x3xf32>
    %get3A_8 = vector.shape_cast %get3A_7 : vector<1x256x3xf32> to vector<256x3xf32>
    %broadcast_in_dim3A = arith.constant 0.000000e+00 : f32
    %broadcast_in_dim3A_9 = vector.broadcast %broadcast_in_dim3A : f32 to vector<256x1024xf32>
    %slice3A = vector.extract_strided_slice %get3A_8 {offsets = [0, 0], sizes = [256, 1], strides = [1, 1]} : vector<256x3xf32> to vector<256x1xf32>
    %slice3A_10 = vector.extract_strided_slice %get3A_3 {offsets = [0, 0], sizes = [1, 1024], strides = [1, 1]} : vector<3x1024xf32> to vector<1x1024xf32>
    %sub3A = vector.broadcast %slice3A : vector<256x1xf32> to vector<256x1024xf32>
    %sub3A_11 = vector.broadcast %slice3A_10 : vector<1x1024xf32> to vector<256x1024xf32>
    %sub3A_12 = arith.subf %sub3A, %sub3A_11 : vector<256x1024xf32>
    %mul3A = arith.mulf %sub3A_12, %sub3A_12 : vector<256x1024xf32>
    %add3A = arith.addf %broadcast_in_dim3A_9, %mul3A : vector<256x1024xf32>
    %slice3A_13 = vector.extract_strided_slice %get3A_8 {offsets = [0, 1], sizes = [256, 1], strides = [1, 1]} : vector<256x3xf32> to vector<256x1xf32>
    %slice3A_14 = vector.extract_strided_slice %get3A_3 {offsets = [1, 0], sizes = [1, 1024], strides = [1, 1]} : vector<3x1024xf32> to vector<1x1024xf32>
    %sub3A_15 = vector.broadcast %slice3A_13 : vector<256x1xf32> to vector<256x1024xf32>
    %sub3A_16 = vector.broadcast %slice3A_14 : vector<1x1024xf32> to vector<256x1024xf32>
    %sub3A_17 = arith.subf %sub3A_15, %sub3A_16 : vector<256x1024xf32>
    %mul3A_18 = arith.mulf %sub3A_17, %sub3A_17 : vector<256x1024xf32>
    %add3A_19 = arith.addf %add3A, %mul3A_18 : vector<256x1024xf32>
    %slice3A_20 = vector.extract_strided_slice %get3A_8 {offsets = [0, 2], sizes = [256, 1], strides = [1, 1]} : vector<256x3xf32> to vector<256x1xf32>
    %slice3A_21 = vector.extract_strided_slice %get3A_3 {offsets = [2, 0], sizes = [1, 1024], strides = [1, 1]} : vector<3x1024xf32> to vector<1x1024xf32>
    %sub3A_22 = vector.broadcast %slice3A_20 : vector<256x1xf32> to vector<256x1024xf32>
    %sub3A_23 = vector.broadcast %slice3A_21 : vector<1x1024xf32> to vector<256x1024xf32>
    %sub3A_24 = arith.subf %sub3A_22, %sub3A_23 : vector<256x1024xf32>
    %mul3A_25 = arith.mulf %sub3A_24, %sub3A_24 : vector<256x1024xf32>
    %add3A_26 = arith.addf %add3A_19, %mul3A_25 : vector<256x1024xf32>
    %get3A_27 = arith.constant 0 : index
    %get3A_28 = arith.constant 0 : index
    %get3A_29 = arith.constant 0 : index
    %get3A_30 = vector.load %arg4[%get3A_27, %get3A_28, %get3A_29] : memref<1x1x1024xf32, #tpu.memory_space<vmem>>, vector<1x1x1024xf32>
    %get3A_31 = vector.shape_cast %get3A_30 : vector<1x1x1024xf32> to vector<1x1024xf32>
    %get3A_32 = arith.constant 0 : index
    %get3A_33 = arith.constant 0 : index
    %get3A_34 = arith.constant 0 : index
    %get3A_35 = vector.load %arg5[%get3A_32, %get3A_33, %get3A_34] : memref<1x256x1xf32, #tpu.memory_space<vmem>>, vector<1x256x1xf32>
    %get3A_36 = vector.shape_cast %get3A_35 : vector<1x256x1xf32> to vector<256x1xf32>
    %mul3A_37 = vector.broadcast %get3A_36 : vector<256x1xf32> to vector<256x1024xf32>
    %mul3A_38 = vector.broadcast %get3A_31 : vector<1x1024xf32> to vector<256x1024xf32>
    %mul3A_39 = arith.mulf %mul3A_37, %mul3A_38 : vector<256x1024xf32>
    %add3A_40 = arith.constant 9.99999997E-7 : f32
    %add3A_41 = vector.broadcast %add3A_40 : f32 to vector<256x1024xf32>
    %add3A_42 = arith.addf %add3A_26, %add3A_41 : vector<256x1024xf32>
    %sqrt3A = math.sqrt %add3A_42 : vector<256x1024xf32>
    %mul3A_43 = arith.mulf %mul3A_39, %sqrt3A : vector<256x1024xf32>
    %reduce_max3A = arith.constant dense<0xFF800000> : vector<256xf32>
    %reduce_max3A_44 = vector.multi_reduction <maximumf>, %mul3A_43, %reduce_max3A [1] : vector<256x1024xf32> to vector<256xf32>
    %broadcast_in_dim3A_45 = vector.shape_cast %reduce_max3A_44 : vector<256xf32> to vector<256x1xf32>
    %sub3A_46 = arith.constant 1.000000e+00 : f32
    %sub3A_47 = vector.broadcast %sub3A_46 : f32 to vector<256x1024xf32>
    %sub3A_48 = arith.subf %sub3A_47, %mul3A_39 : vector<256x1024xf32>
    %mul3A_49 = vector.broadcast %broadcast_in_dim3A_45 : vector<256x1xf32> to vector<256x1024xf32>
    %mul3A_50 = arith.mulf %sub3A_48, %mul3A_49 : vector<256x1024xf32>
    %add3A_51 = arith.addf %mul3A_43, %mul3A_50 : vector<256x1024xf32>
    %iota3A = tpu.iota {dimensions = array<i32: 1>} : vector<256x1024xi32>
    %reduce_min3A = arith.constant dense<0x7F800000> : vector<256xf32>
    %reduce_min3A_52 = vector.multi_reduction <minimumf>, %add3A_51, %reduce_min3A [1] : vector<256x1024xf32> to vector<256xf32>
    %broadcast_in_dim3A_53 = vector.shape_cast %reduce_min3A_52 : vector<256xf32> to vector<256x1xf32>
    %eq3A = vector.broadcast %broadcast_in_dim3A_53 : vector<256x1xf32> to vector<256x1024xf32>
    %eq3A_54 = arith.cmpf oeq, %add3A_51, %eq3A : vector<256x1024xf32>
    %jit3A = arith.constant 1024 : i32
    %broadcast_in_dim3A_55 = vector.broadcast %jit3A : i32 to vector<256x1024xi32>
    %select_n3A = arith.select %eq3A_54, %iota3A, %broadcast_in_dim3A_55 : vector<256x1024xi1>, vector<256x1024xi32>
    %reduce_min3A_56 = arith.constant dense<2147483647> : vector<256xi32>
    %reduce_min3A_57 = vector.multi_reduction <minsi>, %select_n3A, %reduce_min3A_56 [1] : vector<256x1024xi32> to vector<256xi32>
    %broadcast_in_dim3A_58 = vector.shape_cast %reduce_min3A_57 : vector<256xi32> to vector<256x1xi32>
    %eq3A_59 = vector.broadcast %broadcast_in_dim3A_58 : vector<256x1xi32> to vector<256x1024xi32>
    %eq3A_60 = arith.cmpi eq, %iota3A, %eq3A_59 : vector<256x1024xi32>
    %jit3A_61 = arith.constant 0x7F800000 : f32
    %broadcast_in_dim3A_62 = vector.broadcast %jit3A_61 : f32 to vector<256x1024xf32>
    %select_n3A_63 = arith.select %eq3A_60, %broadcast_in_dim3A_62, %add3A_51 : vector<256x1024xi1>, vector<256x1024xf32>
    %reduce_min3A_64 = arith.constant dense<0x7F800000> : vector<256xf32>
    %reduce_min3A_65 = vector.multi_reduction <minimumf>, %select_n3A_63, %reduce_min3A_64 [1] : vector<256x1024xf32> to vector<256xf32>
    %broadcast_in_dim3A_66 = vector.shape_cast %reduce_min3A_65 : vector<256xf32> to vector<256x1xf32>
    %eq3A_67 = vector.broadcast %broadcast_in_dim3A_66 : vector<256x1xf32> to vector<256x1024xf32>
    %eq3A_68 = arith.cmpf oeq, %select_n3A_63, %eq3A_67 : vector<256x1024xf32>
    %jit3A_69 = arith.constant 1024 : i32
    %broadcast_in_dim3A_70 = vector.broadcast %jit3A_69 : i32 to vector<256x1024xi32>
    %select_n3A_71 = arith.select %eq3A_68, %iota3A, %broadcast_in_dim3A_70 : vector<256x1024xi1>, vector<256x1024xi32>
    %reduce_min3A_72 = arith.constant dense<2147483647> : vector<256xi32>
    %reduce_min3A_73 = vector.multi_reduction <minsi>, %select_n3A_71, %reduce_min3A_72 [1] : vector<256x1024xi32> to vector<256xi32>
    %broadcast_in_dim3A_74 = vector.shape_cast %reduce_min3A_73 : vector<256xi32> to vector<256x1xi32>
    %eq3A_75 = vector.broadcast %broadcast_in_dim3A_74 : vector<256x1xi32> to vector<256x1024xi32>
    %eq3A_76 = arith.cmpi eq, %iota3A, %eq3A_75 : vector<256x1024xi32>
    %jit3A_77 = arith.constant 0x7F800000 : f32
    %broadcast_in_dim3A_78 = vector.broadcast %jit3A_77 : f32 to vector<256x1024xf32>
    %select_n3A_79 = arith.select %eq3A_76, %broadcast_in_dim3A_78, %select_n3A_63 : vector<256x1024xi1>, vector<256x1024xf32>
    %reduce_min3A_80 = arith.constant dense<0x7F800000> : vector<256xf32>
    %reduce_min3A_81 = vector.multi_reduction <minimumf>, %select_n3A_79, %reduce_min3A_80 [1] : vector<256x1024xf32> to vector<256xf32>
    %broadcast_in_dim3A_82 = vector.shape_cast %reduce_min3A_81 : vector<256xf32> to vector<256x1xf32>
    %eq3A_83 = vector.broadcast %broadcast_in_dim3A_82 : vector<256x1xf32> to vector<256x1024xf32>
    %eq3A_84 = arith.cmpf oeq, %select_n3A_79, %eq3A_83 : vector<256x1024xf32>
    %jit3A_85 = arith.constant 1024 : i32
    %broadcast_in_dim3A_86 = vector.broadcast %jit3A_85 : i32 to vector<256x1024xi32>
    %select_n3A_87 = arith.select %eq3A_84, %iota3A, %broadcast_in_dim3A_86 : vector<256x1024xi1>, vector<256x1024xi32>
    %reduce_min3A_88 = arith.constant dense<2147483647> : vector<256xi32>
    %reduce_min3A_89 = vector.multi_reduction <minsi>, %select_n3A_87, %reduce_min3A_88 [1] : vector<256x1024xi32> to vector<256xi32>
    %broadcast_in_dim3A_90 = vector.shape_cast %reduce_min3A_89 : vector<256xi32> to vector<256x1xi32>
    %eq3A_91 = vector.broadcast %broadcast_in_dim3A_90 : vector<256x1xi32> to vector<256x1024xi32>
    %eq3A_92 = arith.cmpi eq, %iota3A, %eq3A_91 : vector<256x1024xi32>
    %jit3A_93 = arith.constant 0x7F800000 : f32
    %broadcast_in_dim3A_94 = vector.broadcast %jit3A_93 : f32 to vector<256x1024xf32>
    %select_n3A_95 = arith.select %eq3A_92, %broadcast_in_dim3A_94, %select_n3A_79 : vector<256x1024xi1>, vector<256x1024xf32>
    %reduce_min3A_96 = arith.constant dense<0x7F800000> : vector<256xf32>
    %reduce_min3A_97 = vector.multi_reduction <minimumf>, %select_n3A_95, %reduce_min3A_96 [1] : vector<256x1024xf32> to vector<256xf32>
    %broadcast_in_dim3A_98 = vector.shape_cast %reduce_min3A_97 : vector<256xf32> to vector<256x1xf32>
    %eq3A_99 = vector.broadcast %broadcast_in_dim3A_98 : vector<256x1xf32> to vector<256x1024xf32>
    %eq3A_100 = arith.cmpf oeq, %select_n3A_95, %eq3A_99 : vector<256x1024xf32>
    %jit3A_101 = arith.constant 1024 : i32
    %broadcast_in_dim3A_102 = vector.broadcast %jit3A_101 : i32 to vector<256x1024xi32>
    %select_n3A_103 = arith.select %eq3A_100, %iota3A, %broadcast_in_dim3A_102 : vector<256x1024xi1>, vector<256x1024xi32>
    %reduce_min3A_104 = arith.constant dense<2147483647> : vector<256xi32>
    %reduce_min3A_105 = vector.multi_reduction <minsi>, %select_n3A_103, %reduce_min3A_104 [1] : vector<256x1024xi32> to vector<256xi32>
    %broadcast_in_dim3A_106 = vector.shape_cast %reduce_min3A_105 : vector<256xi32> to vector<256x1xi32>
    %eq3A_107 = vector.broadcast %broadcast_in_dim3A_106 : vector<256x1xi32> to vector<256x1024xi32>
    %eq3A_108 = arith.cmpi eq, %iota3A, %eq3A_107 : vector<256x1024xi32>
    %jit3A_109 = arith.constant 0x7F800000 : f32
    %broadcast_in_dim3A_110 = vector.broadcast %jit3A_109 : f32 to vector<256x1024xf32>
    %select_n3A_111 = arith.select %eq3A_108, %broadcast_in_dim3A_110, %select_n3A_95 : vector<256x1024xi1>, vector<256x1024xf32>
    %reduce_min3A_112 = arith.constant dense<0x7F800000> : vector<256xf32>
    %reduce_min3A_113 = vector.multi_reduction <minimumf>, %select_n3A_111, %reduce_min3A_112 [1] : vector<256x1024xf32> to vector<256xf32>
    %broadcast_in_dim3A_114 = vector.shape_cast %reduce_min3A_113 : vector<256xf32> to vector<256x1xf32>
    %eq3A_115 = vector.broadcast %broadcast_in_dim3A_114 : vector<256x1xf32> to vector<256x1024xf32>
    %eq3A_116 = arith.cmpf oeq, %select_n3A_111, %eq3A_115 : vector<256x1024xf32>
    %jit3A_117 = arith.constant 1024 : i32
    %broadcast_in_dim3A_118 = vector.broadcast %jit3A_117 : i32 to vector<256x1024xi32>
    %select_n3A_119 = arith.select %eq3A_116, %iota3A, %broadcast_in_dim3A_118 : vector<256x1024xi1>, vector<256x1024xi32>
    %reduce_min3A_120 = arith.constant dense<2147483647> : vector<256xi32>
    %reduce_min3A_121 = vector.multi_reduction <minsi>, %select_n3A_119, %reduce_min3A_120 [1] : vector<256x1024xi32> to vector<256xi32>
    %broadcast_in_dim3A_122 = vector.shape_cast %reduce_min3A_121 : vector<256xi32> to vector<256x1xi32>
    %eq3A_123 = vector.broadcast %broadcast_in_dim3A_122 : vector<256x1xi32> to vector<256x1024xi32>
    %eq3A_124 = arith.cmpi eq, %iota3A, %eq3A_123 : vector<256x1024xi32>
    %jit3A_125 = arith.constant 0x7F800000 : f32
    %broadcast_in_dim3A_126 = vector.broadcast %jit3A_125 : f32 to vector<256x1024xf32>
    %select_n3A_127 = arith.select %eq3A_124, %broadcast_in_dim3A_126, %select_n3A_111 : vector<256x1024xi1>, vector<256x1024xf32>
    %reduce_min3A_128 = arith.constant dense<0x7F800000> : vector<256xf32>
    %reduce_min3A_129 = vector.multi_reduction <minimumf>, %select_n3A_127, %reduce_min3A_128 [1] : vector<256x1024xf32> to vector<256xf32>
    %broadcast_in_dim3A_130 = vector.shape_cast %reduce_min3A_129 : vector<256xf32> to vector<256x1xf32>
    %eq3A_131 = vector.broadcast %broadcast_in_dim3A_130 : vector<256x1xf32> to vector<256x1024xf32>
    %eq3A_132 = arith.cmpf oeq, %select_n3A_127, %eq3A_131 : vector<256x1024xf32>
    %jit3A_133 = arith.constant 1024 : i32
    %broadcast_in_dim3A_134 = vector.broadcast %jit3A_133 : i32 to vector<256x1024xi32>
    %select_n3A_135 = arith.select %eq3A_132, %iota3A, %broadcast_in_dim3A_134 : vector<256x1024xi1>, vector<256x1024xi32>
    %reduce_min3A_136 = arith.constant dense<2147483647> : vector<256xi32>
    %reduce_min3A_137 = vector.multi_reduction <minsi>, %select_n3A_135, %reduce_min3A_136 [1] : vector<256x1024xi32> to vector<256xi32>
    %broadcast_in_dim3A_138 = vector.shape_cast %reduce_min3A_137 : vector<256xi32> to vector<256x1xi32>
    %eq3A_139 = vector.broadcast %broadcast_in_dim3A_138 : vector<256x1xi32> to vector<256x1024xi32>
    %eq3A_140 = arith.cmpi eq, %iota3A, %eq3A_139 : vector<256x1024xi32>
    %jit3A_141 = arith.constant 0x7F800000 : f32
    %broadcast_in_dim3A_142 = vector.broadcast %jit3A_141 : f32 to vector<256x1024xf32>
    %select_n3A_143 = arith.select %eq3A_140, %broadcast_in_dim3A_142, %select_n3A_127 : vector<256x1024xi1>, vector<256x1024xf32>
    %reduce_min3A_144 = arith.constant dense<0x7F800000> : vector<256xf32>
    %reduce_min3A_145 = vector.multi_reduction <minimumf>, %select_n3A_143, %reduce_min3A_144 [1] : vector<256x1024xf32> to vector<256xf32>
    %broadcast_in_dim3A_146 = vector.shape_cast %reduce_min3A_145 : vector<256xf32> to vector<256x1xf32>
    %eq3A_147 = vector.broadcast %broadcast_in_dim3A_146 : vector<256x1xf32> to vector<256x1024xf32>
    %eq3A_148 = arith.cmpf oeq, %select_n3A_143, %eq3A_147 : vector<256x1024xf32>
    %jit3A_149 = arith.constant 1024 : i32
    %broadcast_in_dim3A_150 = vector.broadcast %jit3A_149 : i32 to vector<256x1024xi32>
    %select_n3A_151 = arith.select %eq3A_148, %iota3A, %broadcast_in_dim3A_150 : vector<256x1024xi1>, vector<256x1024xi32>
    %reduce_min3A_152 = arith.constant dense<2147483647> : vector<256xi32>
    %reduce_min3A_153 = vector.multi_reduction <minsi>, %select_n3A_151, %reduce_min3A_152 [1] : vector<256x1024xi32> to vector<256xi32>
    %broadcast_in_dim3A_154 = vector.shape_cast %reduce_min3A_153 : vector<256xi32> to vector<256x1xi32>
    %eq3A_155 = vector.broadcast %broadcast_in_dim3A_154 : vector<256x1xi32> to vector<256x1024xi32>
    %eq3A_156 = arith.cmpi eq, %iota3A, %eq3A_155 : vector<256x1024xi32>
    %jit3A_157 = arith.constant 0x7F800000 : f32
    %broadcast_in_dim3A_158 = vector.broadcast %jit3A_157 : f32 to vector<256x1024xf32>
    %select_n3A_159 = arith.select %eq3A_156, %broadcast_in_dim3A_158, %select_n3A_143 : vector<256x1024xi1>, vector<256x1024xf32>
    %reduce_min3A_160 = arith.constant dense<0x7F800000> : vector<256xf32>
    %reduce_min3A_161 = vector.multi_reduction <minimumf>, %select_n3A_159, %reduce_min3A_160 [1] : vector<256x1024xf32> to vector<256xf32>
    %broadcast_in_dim3A_162 = vector.shape_cast %reduce_min3A_161 : vector<256xf32> to vector<256x1xf32>
    %eq3A_163 = vector.broadcast %broadcast_in_dim3A_162 : vector<256x1xf32> to vector<256x1024xf32>
    %eq3A_164 = arith.cmpf oeq, %select_n3A_159, %eq3A_163 : vector<256x1024xf32>
    %jit3A_165 = arith.constant 1024 : i32
    %broadcast_in_dim3A_166 = vector.broadcast %jit3A_165 : i32 to vector<256x1024xi32>
    %select_n3A_167 = arith.select %eq3A_164, %iota3A, %broadcast_in_dim3A_166 : vector<256x1024xi1>, vector<256x1024xi32>
    %reduce_min3A_168 = arith.constant dense<2147483647> : vector<256xi32>
    %reduce_min3A_169 = vector.multi_reduction <minsi>, %select_n3A_167, %reduce_min3A_168 [1] : vector<256x1024xi32> to vector<256xi32>
    %broadcast_in_dim3A_170 = vector.shape_cast %reduce_min3A_169 : vector<256xi32> to vector<256x1xi32>
    %eq3A_171 = vector.broadcast %broadcast_in_dim3A_170 : vector<256x1xi32> to vector<256x1024xi32>
    %eq3A_172 = arith.cmpi eq, %iota3A, %eq3A_171 : vector<256x1024xi32>
    %jit3A_173 = arith.constant 0x7F800000 : f32
    %broadcast_in_dim3A_174 = vector.broadcast %jit3A_173 : f32 to vector<256x1024xf32>
    %select_n3A_175 = arith.select %eq3A_172, %broadcast_in_dim3A_174, %select_n3A_159 : vector<256x1024xi1>, vector<256x1024xf32>
    %reduce_min3A_176 = arith.constant dense<0x7F800000> : vector<256xf32>
    %reduce_min3A_177 = vector.multi_reduction <minimumf>, %select_n3A_175, %reduce_min3A_176 [1] : vector<256x1024xf32> to vector<256xf32>
    %broadcast_in_dim3A_178 = vector.shape_cast %reduce_min3A_177 : vector<256xf32> to vector<256x1xf32>
    %eq3A_179 = vector.broadcast %broadcast_in_dim3A_178 : vector<256x1xf32> to vector<256x1024xf32>
    %eq3A_180 = arith.cmpf oeq, %select_n3A_175, %eq3A_179 : vector<256x1024xf32>
    %jit3A_181 = arith.constant 1024 : i32
    %broadcast_in_dim3A_182 = vector.broadcast %jit3A_181 : i32 to vector<256x1024xi32>
    %select_n3A_183 = arith.select %eq3A_180, %iota3A, %broadcast_in_dim3A_182 : vector<256x1024xi1>, vector<256x1024xi32>
    %reduce_min3A_184 = arith.constant dense<2147483647> : vector<256xi32>
    %reduce_min3A_185 = vector.multi_reduction <minsi>, %select_n3A_183, %reduce_min3A_184 [1] : vector<256x1024xi32> to vector<256xi32>
    %broadcast_in_dim3A_186 = vector.shape_cast %reduce_min3A_185 : vector<256xi32> to vector<256x1xi32>
    %eq3A_187 = vector.broadcast %broadcast_in_dim3A_186 : vector<256x1xi32> to vector<256x1024xi32>
    %eq3A_188 = arith.cmpi eq, %iota3A, %eq3A_187 : vector<256x1024xi32>
    %jit3A_189 = arith.constant 0x7F800000 : f32
    %broadcast_in_dim3A_190 = vector.broadcast %jit3A_189 : f32 to vector<256x1024xf32>
    %select_n3A_191 = arith.select %eq3A_188, %broadcast_in_dim3A_190, %select_n3A_175 : vector<256x1024xi1>, vector<256x1024xf32>
    %reduce_min3A_192 = arith.constant dense<0x7F800000> : vector<256xf32>
    %reduce_min3A_193 = vector.multi_reduction <minimumf>, %select_n3A_191, %reduce_min3A_192 [1] : vector<256x1024xf32> to vector<256xf32>
    %broadcast_in_dim3A_194 = vector.shape_cast %reduce_min3A_193 : vector<256xf32> to vector<256x1xf32>
    %eq3A_195 = vector.broadcast %broadcast_in_dim3A_194 : vector<256x1xf32> to vector<256x1024xf32>
    %eq3A_196 = arith.cmpf oeq, %select_n3A_191, %eq3A_195 : vector<256x1024xf32>
    %jit3A_197 = arith.constant 1024 : i32
    %broadcast_in_dim3A_198 = vector.broadcast %jit3A_197 : i32 to vector<256x1024xi32>
    %select_n3A_199 = arith.select %eq3A_196, %iota3A, %broadcast_in_dim3A_198 : vector<256x1024xi1>, vector<256x1024xi32>
    %reduce_min3A_200 = arith.constant dense<2147483647> : vector<256xi32>
    %reduce_min3A_201 = vector.multi_reduction <minsi>, %select_n3A_199, %reduce_min3A_200 [1] : vector<256x1024xi32> to vector<256xi32>
    %broadcast_in_dim3A_202 = vector.shape_cast %reduce_min3A_201 : vector<256xi32> to vector<256x1xi32>
    %eq3A_203 = vector.broadcast %broadcast_in_dim3A_202 : vector<256x1xi32> to vector<256x1024xi32>
    %eq3A_204 = arith.cmpi eq, %iota3A, %eq3A_203 : vector<256x1024xi32>
    %jit3A_205 = arith.constant 0x7F800000 : f32
    %broadcast_in_dim3A_206 = vector.broadcast %jit3A_205 : f32 to vector<256x1024xf32>
    %select_n3A_207 = arith.select %eq3A_204, %broadcast_in_dim3A_206, %select_n3A_191 : vector<256x1024xi1>, vector<256x1024xf32>
    %reduce_min3A_208 = arith.constant dense<0x7F800000> : vector<256xf32>
    %reduce_min3A_209 = vector.multi_reduction <minimumf>, %select_n3A_207, %reduce_min3A_208 [1] : vector<256x1024xf32> to vector<256xf32>
    %broadcast_in_dim3A_210 = vector.shape_cast %reduce_min3A_209 : vector<256xf32> to vector<256x1xf32>
    %eq3A_211 = vector.broadcast %broadcast_in_dim3A_210 : vector<256x1xf32> to vector<256x1024xf32>
    %eq3A_212 = arith.cmpf oeq, %select_n3A_207, %eq3A_211 : vector<256x1024xf32>
    %jit3A_213 = arith.constant 1024 : i32
    %broadcast_in_dim3A_214 = vector.broadcast %jit3A_213 : i32 to vector<256x1024xi32>
    %select_n3A_215 = arith.select %eq3A_212, %iota3A, %broadcast_in_dim3A_214 : vector<256x1024xi1>, vector<256x1024xi32>
    %reduce_min3A_216 = arith.constant dense<2147483647> : vector<256xi32>
    %reduce_min3A_217 = vector.multi_reduction <minsi>, %select_n3A_215, %reduce_min3A_216 [1] : vector<256x1024xi32> to vector<256xi32>
    %broadcast_in_dim3A_218 = vector.shape_cast %reduce_min3A_217 : vector<256xi32> to vector<256x1xi32>
    %eq3A_219 = vector.broadcast %broadcast_in_dim3A_218 : vector<256x1xi32> to vector<256x1024xi32>
    %eq3A_220 = arith.cmpi eq, %iota3A, %eq3A_219 : vector<256x1024xi32>
    %jit3A_221 = arith.constant 0x7F800000 : f32
    %broadcast_in_dim3A_222 = vector.broadcast %jit3A_221 : f32 to vector<256x1024xf32>
    %select_n3A_223 = arith.select %eq3A_220, %broadcast_in_dim3A_222, %select_n3A_207 : vector<256x1024xi1>, vector<256x1024xf32>
    %reduce_min3A_224 = arith.constant dense<0x7F800000> : vector<256xf32>
    %reduce_min3A_225 = vector.multi_reduction <minimumf>, %select_n3A_223, %reduce_min3A_224 [1] : vector<256x1024xf32> to vector<256xf32>
    %broadcast_in_dim3A_226 = vector.shape_cast %reduce_min3A_225 : vector<256xf32> to vector<256x1xf32>
    %eq3A_227 = vector.broadcast %broadcast_in_dim3A_226 : vector<256x1xf32> to vector<256x1024xf32>
    %eq3A_228 = arith.cmpf oeq, %select_n3A_223, %eq3A_227 : vector<256x1024xf32>
    %jit3A_229 = arith.constant 1024 : i32
    %broadcast_in_dim3A_230 = vector.broadcast %jit3A_229 : i32 to vector<256x1024xi32>
    %select_n3A_231 = arith.select %eq3A_228, %iota3A, %broadcast_in_dim3A_230 : vector<256x1024xi1>, vector<256x1024xi32>
    %reduce_min3A_232 = arith.constant dense<2147483647> : vector<256xi32>
    %reduce_min3A_233 = vector.multi_reduction <minsi>, %select_n3A_231, %reduce_min3A_232 [1] : vector<256x1024xi32> to vector<256xi32>
    %broadcast_in_dim3A_234 = vector.shape_cast %reduce_min3A_233 : vector<256xi32> to vector<256x1xi32>
    %eq3A_235 = vector.broadcast %broadcast_in_dim3A_234 : vector<256x1xi32> to vector<256x1024xi32>
    %eq3A_236 = arith.cmpi eq, %iota3A, %eq3A_235 : vector<256x1024xi32>
    %jit3A_237 = arith.constant 0x7F800000 : f32
    %broadcast_in_dim3A_238 = vector.broadcast %jit3A_237 : f32 to vector<256x1024xf32>
    %select_n3A_239 = arith.select %eq3A_236, %broadcast_in_dim3A_238, %select_n3A_223 : vector<256x1024xi1>, vector<256x1024xf32>
    %reduce_min3A_240 = arith.constant dense<0x7F800000> : vector<256xf32>
    %reduce_min3A_241 = vector.multi_reduction <minimumf>, %select_n3A_239, %reduce_min3A_240 [1] : vector<256x1024xf32> to vector<256xf32>
    %broadcast_in_dim3A_242 = vector.shape_cast %reduce_min3A_241 : vector<256xf32> to vector<256x1xf32>
    %eq3A_243 = vector.broadcast %broadcast_in_dim3A_242 : vector<256x1xf32> to vector<256x1024xf32>
    %eq3A_244 = arith.cmpf oeq, %select_n3A_239, %eq3A_243 : vector<256x1024xf32>
    %jit3A_245 = arith.constant 1024 : i32
    %broadcast_in_dim3A_246 = vector.broadcast %jit3A_245 : i32 to vector<256x1024xi32>
    %select_n3A_247 = arith.select %eq3A_244, %iota3A, %broadcast_in_dim3A_246 : vector<256x1024xi1>, vector<256x1024xi32>
    %reduce_min3A_248 = arith.constant dense<2147483647> : vector<256xi32>
    %reduce_min3A_249 = vector.multi_reduction <minsi>, %select_n3A_247, %reduce_min3A_248 [1] : vector<256x1024xi32> to vector<256xi32>
    %broadcast_in_dim3A_250 = vector.shape_cast %reduce_min3A_249 : vector<256xi32> to vector<256x1xi32>
    %eq3A_251 = vector.broadcast %broadcast_in_dim3A_250 : vector<256x1xi32> to vector<256x1024xi32>
    %eq3A_252 = arith.cmpi eq, %iota3A, %eq3A_251 : vector<256x1024xi32>
    %jit3A_253 = arith.constant 0x7F800000 : f32
    %broadcast_in_dim3A_254 = vector.broadcast %jit3A_253 : f32 to vector<256x1024xf32>
    %select_n3A_255 = arith.select %eq3A_252, %broadcast_in_dim3A_254, %select_n3A_239 : vector<256x1024xi1>, vector<256x1024xf32>
    %reduce_min3A_256 = arith.constant dense<0x7F800000> : vector<256xf32>
    %reduce_min3A_257 = vector.multi_reduction <minimumf>, %select_n3A_255, %reduce_min3A_256 [1] : vector<256x1024xf32> to vector<256xf32>
    %broadcast_in_dim3A_258 = vector.shape_cast %reduce_min3A_257 : vector<256xf32> to vector<256x1xf32>
    %eq3A_259 = vector.broadcast %broadcast_in_dim3A_258 : vector<256x1xf32> to vector<256x1024xf32>
    %eq3A_260 = arith.cmpf oeq, %select_n3A_255, %eq3A_259 : vector<256x1024xf32>
    %jit3A_261 = arith.constant 1024 : i32
    %broadcast_in_dim3A_262 = vector.broadcast %jit3A_261 : i32 to vector<256x1024xi32>
    %select_n3A_263 = arith.select %eq3A_260, %iota3A, %broadcast_in_dim3A_262 : vector<256x1024xi1>, vector<256x1024xi32>
    %reduce_min3A_264 = arith.constant dense<2147483647> : vector<256xi32>
    %reduce_min3A_265 = vector.multi_reduction <minsi>, %select_n3A_263, %reduce_min3A_264 [1] : vector<256x1024xi32> to vector<256xi32>
    %broadcast_in_dim3A_266 = vector.shape_cast %reduce_min3A_265 : vector<256xi32> to vector<256x1xi32>
    %eq3A_267 = vector.broadcast %broadcast_in_dim3A_266 : vector<256x1xi32> to vector<256x1024xi32>
    %eq3A_268 = arith.cmpi eq, %iota3A, %eq3A_267 : vector<256x1024xi32>
    %jit3A_269 = arith.constant 0x7F800000 : f32
    %broadcast_in_dim3A_270 = vector.broadcast %jit3A_269 : f32 to vector<256x1024xf32>
    %select_n3A_271 = arith.select %eq3A_268, %broadcast_in_dim3A_270, %select_n3A_255 : vector<256x1024xi1>, vector<256x1024xf32>
    %reduce_min3A_272 = arith.constant dense<0x7F800000> : vector<256xf32>
    %reduce_min3A_273 = vector.multi_reduction <minimumf>, %select_n3A_271, %reduce_min3A_272 [1] : vector<256x1024xf32> to vector<256xf32>
    %broadcast_in_dim3A_274 = vector.shape_cast %reduce_min3A_273 : vector<256xf32> to vector<256x1xf32>
    %eq3A_275 = vector.broadcast %broadcast_in_dim3A_274 : vector<256x1xf32> to vector<256x1024xf32>
    %eq3A_276 = arith.cmpf oeq, %select_n3A_271, %eq3A_275 : vector<256x1024xf32>
    %jit3A_277 = arith.constant 1024 : i32
    %broadcast_in_dim3A_278 = vector.broadcast %jit3A_277 : i32 to vector<256x1024xi32>
    %select_n3A_279 = arith.select %eq3A_276, %iota3A, %broadcast_in_dim3A_278 : vector<256x1024xi1>, vector<256x1024xi32>
    %reduce_min3A_280 = arith.constant dense<2147483647> : vector<256xi32>
    %reduce_min3A_281 = vector.multi_reduction <minsi>, %select_n3A_279, %reduce_min3A_280 [1] : vector<256x1024xi32> to vector<256xi32>
    %broadcast_in_dim3A_282 = vector.shape_cast %reduce_min3A_281 : vector<256xi32> to vector<256x1xi32>
    %eq3A_283 = vector.broadcast %broadcast_in_dim3A_282 : vector<256x1xi32> to vector<256x1024xi32>
    %eq3A_284 = arith.cmpi eq, %iota3A, %eq3A_283 : vector<256x1024xi32>
    %jit3A_285 = arith.constant 0x7F800000 : f32
    %broadcast_in_dim3A_286 = vector.broadcast %jit3A_285 : f32 to vector<256x1024xf32>
    %select_n3A_287 = arith.select %eq3A_284, %broadcast_in_dim3A_286, %select_n3A_271 : vector<256x1024xi1>, vector<256x1024xf32>
    %reduce_min3A_288 = arith.constant dense<0x7F800000> : vector<256xf32>
    %reduce_min3A_289 = vector.multi_reduction <minimumf>, %select_n3A_287, %reduce_min3A_288 [1] : vector<256x1024xf32> to vector<256xf32>
    %broadcast_in_dim3A_290 = vector.shape_cast %reduce_min3A_289 : vector<256xf32> to vector<256x1xf32>
    %eq3A_291 = vector.broadcast %broadcast_in_dim3A_290 : vector<256x1xf32> to vector<256x1024xf32>
    %eq3A_292 = arith.cmpf oeq, %select_n3A_287, %eq3A_291 : vector<256x1024xf32>
    %jit3A_293 = arith.constant 1024 : i32
    %broadcast_in_dim3A_294 = vector.broadcast %jit3A_293 : i32 to vector<256x1024xi32>
    %select_n3A_295 = arith.select %eq3A_292, %iota3A, %broadcast_in_dim3A_294 : vector<256x1024xi1>, vector<256x1024xi32>
    %reduce_min3A_296 = arith.constant dense<2147483647> : vector<256xi32>
    %reduce_min3A_297 = vector.multi_reduction <minsi>, %select_n3A_295, %reduce_min3A_296 [1] : vector<256x1024xi32> to vector<256xi32>
    %broadcast_in_dim3A_298 = vector.shape_cast %reduce_min3A_297 : vector<256xi32> to vector<256x1xi32>
    %eq3A_299 = vector.broadcast %broadcast_in_dim3A_298 : vector<256x1xi32> to vector<256x1024xi32>
    %eq3A_300 = arith.cmpi eq, %iota3A, %eq3A_299 : vector<256x1024xi32>
    %jit3A_301 = arith.constant 0x7F800000 : f32
    %broadcast_in_dim3A_302 = vector.broadcast %jit3A_301 : f32 to vector<256x1024xf32>
    %select_n3A_303 = arith.select %eq3A_300, %broadcast_in_dim3A_302, %select_n3A_287 : vector<256x1024xi1>, vector<256x1024xf32>
    %reduce_min3A_304 = arith.constant dense<0x7F800000> : vector<256xf32>
    %reduce_min3A_305 = vector.multi_reduction <minimumf>, %select_n3A_303, %reduce_min3A_304 [1] : vector<256x1024xf32> to vector<256xf32>
    %broadcast_in_dim3A_306 = vector.shape_cast %reduce_min3A_305 : vector<256xf32> to vector<256x1xf32>
    %eq3A_307 = vector.broadcast %broadcast_in_dim3A_306 : vector<256x1xf32> to vector<256x1024xf32>
    %eq3A_308 = arith.cmpf oeq, %select_n3A_303, %eq3A_307 : vector<256x1024xf32>
    %jit3A_309 = arith.constant 1024 : i32
    %broadcast_in_dim3A_310 = vector.broadcast %jit3A_309 : i32 to vector<256x1024xi32>
    %select_n3A_311 = arith.select %eq3A_308, %iota3A, %broadcast_in_dim3A_310 : vector<256x1024xi1>, vector<256x1024xi32>
    %reduce_min3A_312 = arith.constant dense<2147483647> : vector<256xi32>
    %reduce_min3A_313 = vector.multi_reduction <minsi>, %select_n3A_311, %reduce_min3A_312 [1] : vector<256x1024xi32> to vector<256xi32>
    %broadcast_in_dim3A_314 = vector.shape_cast %reduce_min3A_313 : vector<256xi32> to vector<256x1xi32>
    %eq3A_315 = vector.broadcast %broadcast_in_dim3A_314 : vector<256x1xi32> to vector<256x1024xi32>
    %eq3A_316 = arith.cmpi eq, %iota3A, %eq3A_315 : vector<256x1024xi32>
    %jit3A_317 = arith.constant 0x7F800000 : f32
    %broadcast_in_dim3A_318 = vector.broadcast %jit3A_317 : f32 to vector<256x1024xf32>
    %select_n3A_319 = arith.select %eq3A_316, %broadcast_in_dim3A_318, %select_n3A_303 : vector<256x1024xi1>, vector<256x1024xf32>
    %reduce_min3A_320 = arith.constant dense<0x7F800000> : vector<256xf32>
    %reduce_min3A_321 = vector.multi_reduction <minimumf>, %select_n3A_319, %reduce_min3A_320 [1] : vector<256x1024xf32> to vector<256xf32>
    %broadcast_in_dim3A_322 = vector.shape_cast %reduce_min3A_321 : vector<256xf32> to vector<256x1xf32>
    %eq3A_323 = vector.broadcast %broadcast_in_dim3A_322 : vector<256x1xf32> to vector<256x1024xf32>
    %eq3A_324 = arith.cmpf oeq, %select_n3A_319, %eq3A_323 : vector<256x1024xf32>
    %jit3A_325 = arith.constant 1024 : i32
    %broadcast_in_dim3A_326 = vector.broadcast %jit3A_325 : i32 to vector<256x1024xi32>
    %select_n3A_327 = arith.select %eq3A_324, %iota3A, %broadcast_in_dim3A_326 : vector<256x1024xi1>, vector<256x1024xi32>
    %reduce_min3A_328 = arith.constant dense<2147483647> : vector<256xi32>
    %reduce_min3A_329 = vector.multi_reduction <minsi>, %select_n3A_327, %reduce_min3A_328 [1] : vector<256x1024xi32> to vector<256xi32>
    %broadcast_in_dim3A_330 = vector.shape_cast %reduce_min3A_329 : vector<256xi32> to vector<256x1xi32>
    %eq3A_331 = vector.broadcast %broadcast_in_dim3A_330 : vector<256x1xi32> to vector<256x1024xi32>
    %eq3A_332 = arith.cmpi eq, %iota3A, %eq3A_331 : vector<256x1024xi32>
    %jit3A_333 = arith.constant 0x7F800000 : f32
    %broadcast_in_dim3A_334 = vector.broadcast %jit3A_333 : f32 to vector<256x1024xf32>
    %select_n3A_335 = arith.select %eq3A_332, %broadcast_in_dim3A_334, %select_n3A_319 : vector<256x1024xi1>, vector<256x1024xf32>
    %reduce_min3A_336 = arith.constant dense<0x7F800000> : vector<256xf32>
    %reduce_min3A_337 = vector.multi_reduction <minimumf>, %select_n3A_335, %reduce_min3A_336 [1] : vector<256x1024xf32> to vector<256xf32>
    %broadcast_in_dim3A_338 = vector.shape_cast %reduce_min3A_337 : vector<256xf32> to vector<256x1xf32>
    %eq3A_339 = vector.broadcast %broadcast_in_dim3A_338 : vector<256x1xf32> to vector<256x1024xf32>
    %eq3A_340 = arith.cmpf oeq, %select_n3A_335, %eq3A_339 : vector<256x1024xf32>
    %jit3A_341 = arith.constant 1024 : i32
    %broadcast_in_dim3A_342 = vector.broadcast %jit3A_341 : i32 to vector<256x1024xi32>
    %select_n3A_343 = arith.select %eq3A_340, %iota3A, %broadcast_in_dim3A_342 : vector<256x1024xi1>, vector<256x1024xi32>
    %reduce_min3A_344 = arith.constant dense<2147483647> : vector<256xi32>
    %reduce_min3A_345 = vector.multi_reduction <minsi>, %select_n3A_343, %reduce_min3A_344 [1] : vector<256x1024xi32> to vector<256xi32>
    %broadcast_in_dim3A_346 = vector.shape_cast %reduce_min3A_345 : vector<256xi32> to vector<256x1xi32>
    %eq3A_347 = vector.broadcast %broadcast_in_dim3A_346 : vector<256x1xi32> to vector<256x1024xi32>
    %eq3A_348 = arith.cmpi eq, %iota3A, %eq3A_347 : vector<256x1024xi32>
    %jit3A_349 = arith.constant 0x7F800000 : f32
    %broadcast_in_dim3A_350 = vector.broadcast %jit3A_349 : f32 to vector<256x1024xf32>
    %select_n3A_351 = arith.select %eq3A_348, %broadcast_in_dim3A_350, %select_n3A_335 : vector<256x1024xi1>, vector<256x1024xf32>
    %reduce_min3A_352 = arith.constant dense<0x7F800000> : vector<256xf32>
    %reduce_min3A_353 = vector.multi_reduction <minimumf>, %select_n3A_351, %reduce_min3A_352 [1] : vector<256x1024xf32> to vector<256xf32>
    %broadcast_in_dim3A_354 = vector.shape_cast %reduce_min3A_353 : vector<256xf32> to vector<256x1xf32>
    %eq3A_355 = vector.broadcast %broadcast_in_dim3A_354 : vector<256x1xf32> to vector<256x1024xf32>
    %eq3A_356 = arith.cmpf oeq, %select_n3A_351, %eq3A_355 : vector<256x1024xf32>
    %jit3A_357 = arith.constant 1024 : i32
    %broadcast_in_dim3A_358 = vector.broadcast %jit3A_357 : i32 to vector<256x1024xi32>
    %select_n3A_359 = arith.select %eq3A_356, %iota3A, %broadcast_in_dim3A_358 : vector<256x1024xi1>, vector<256x1024xi32>
    %reduce_min3A_360 = arith.constant dense<2147483647> : vector<256xi32>
    %reduce_min3A_361 = vector.multi_reduction <minsi>, %select_n3A_359, %reduce_min3A_360 [1] : vector<256x1024xi32> to vector<256xi32>
    %broadcast_in_dim3A_362 = vector.shape_cast %reduce_min3A_361 : vector<256xi32> to vector<256x1xi32>
    %eq3A_363 = vector.broadcast %broadcast_in_dim3A_362 : vector<256x1xi32> to vector<256x1024xi32>
    %eq3A_364 = arith.cmpi eq, %iota3A, %eq3A_363 : vector<256x1024xi32>
    %jit3A_365 = arith.constant 0x7F800000 : f32
    %broadcast_in_dim3A_366 = vector.broadcast %jit3A_365 : f32 to vector<256x1024xf32>
    %select_n3A_367 = arith.select %eq3A_364, %broadcast_in_dim3A_366, %select_n3A_351 : vector<256x1024xi1>, vector<256x1024xf32>
    %reduce_min3A_368 = arith.constant dense<0x7F800000> : vector<256xf32>
    %reduce_min3A_369 = vector.multi_reduction <minimumf>, %select_n3A_367, %reduce_min3A_368 [1] : vector<256x1024xf32> to vector<256xf32>
    %broadcast_in_dim3A_370 = vector.shape_cast %reduce_min3A_369 : vector<256xf32> to vector<256x1xf32>
    %eq3A_371 = vector.broadcast %broadcast_in_dim3A_370 : vector<256x1xf32> to vector<256x1024xf32>
    %eq3A_372 = arith.cmpf oeq, %select_n3A_367, %eq3A_371 : vector<256x1024xf32>
    %jit3A_373 = arith.constant 1024 : i32
    %broadcast_in_dim3A_374 = vector.broadcast %jit3A_373 : i32 to vector<256x1024xi32>
    %select_n3A_375 = arith.select %eq3A_372, %iota3A, %broadcast_in_dim3A_374 : vector<256x1024xi1>, vector<256x1024xi32>
    %reduce_min3A_376 = arith.constant dense<2147483647> : vector<256xi32>
    %reduce_min3A_377 = vector.multi_reduction <minsi>, %select_n3A_375, %reduce_min3A_376 [1] : vector<256x1024xi32> to vector<256xi32>
    %broadcast_in_dim3A_378 = vector.shape_cast %reduce_min3A_377 : vector<256xi32> to vector<256x1xi32>
    %eq3A_379 = vector.broadcast %broadcast_in_dim3A_378 : vector<256x1xi32> to vector<256x1024xi32>
    %eq3A_380 = arith.cmpi eq, %iota3A, %eq3A_379 : vector<256x1024xi32>
    %jit3A_381 = arith.constant 0x7F800000 : f32
    %broadcast_in_dim3A_382 = vector.broadcast %jit3A_381 : f32 to vector<256x1024xf32>
    %select_n3A_383 = arith.select %eq3A_380, %broadcast_in_dim3A_382, %select_n3A_367 : vector<256x1024xi1>, vector<256x1024xf32>
    %reduce_min3A_384 = arith.constant dense<0x7F800000> : vector<256xf32>
    %reduce_min3A_385 = vector.multi_reduction <minimumf>, %select_n3A_383, %reduce_min3A_384 [1] : vector<256x1024xf32> to vector<256xf32>
    %broadcast_in_dim3A_386 = vector.shape_cast %reduce_min3A_385 : vector<256xf32> to vector<256x1xf32>
    %eq3A_387 = vector.broadcast %broadcast_in_dim3A_386 : vector<256x1xf32> to vector<256x1024xf32>
    %eq3A_388 = arith.cmpf oeq, %select_n3A_383, %eq3A_387 : vector<256x1024xf32>
    %jit3A_389 = arith.constant 1024 : i32
    %broadcast_in_dim3A_390 = vector.broadcast %jit3A_389 : i32 to vector<256x1024xi32>
    %select_n3A_391 = arith.select %eq3A_388, %iota3A, %broadcast_in_dim3A_390 : vector<256x1024xi1>, vector<256x1024xi32>
    %reduce_min3A_392 = arith.constant dense<2147483647> : vector<256xi32>
    %reduce_min3A_393 = vector.multi_reduction <minsi>, %select_n3A_391, %reduce_min3A_392 [1] : vector<256x1024xi32> to vector<256xi32>
    %broadcast_in_dim3A_394 = vector.shape_cast %reduce_min3A_393 : vector<256xi32> to vector<256x1xi32>
    %eq3A_395 = vector.broadcast %broadcast_in_dim3A_394 : vector<256x1xi32> to vector<256x1024xi32>
    %eq3A_396 = arith.cmpi eq, %iota3A, %eq3A_395 : vector<256x1024xi32>
    %jit3A_397 = arith.constant 0x7F800000 : f32
    %broadcast_in_dim3A_398 = vector.broadcast %jit3A_397 : f32 to vector<256x1024xf32>
    %select_n3A_399 = arith.select %eq3A_396, %broadcast_in_dim3A_398, %select_n3A_383 : vector<256x1024xi1>, vector<256x1024xf32>
    %reduce_min3A_400 = arith.constant dense<0x7F800000> : vector<256xf32>
    %reduce_min3A_401 = vector.multi_reduction <minimumf>, %select_n3A_399, %reduce_min3A_400 [1] : vector<256x1024xf32> to vector<256xf32>
    %broadcast_in_dim3A_402 = vector.shape_cast %reduce_min3A_401 : vector<256xf32> to vector<256x1xf32>
    %eq3A_403 = vector.broadcast %broadcast_in_dim3A_402 : vector<256x1xf32> to vector<256x1024xf32>
    %eq3A_404 = arith.cmpf oeq, %select_n3A_399, %eq3A_403 : vector<256x1024xf32>
    %jit3A_405 = arith.constant 1024 : i32
    %broadcast_in_dim3A_406 = vector.broadcast %jit3A_405 : i32 to vector<256x1024xi32>
    %select_n3A_407 = arith.select %eq3A_404, %iota3A, %broadcast_in_dim3A_406 : vector<256x1024xi1>, vector<256x1024xi32>
    %reduce_min3A_408 = arith.constant dense<2147483647> : vector<256xi32>
    %reduce_min3A_409 = vector.multi_reduction <minsi>, %select_n3A_407, %reduce_min3A_408 [1] : vector<256x1024xi32> to vector<256xi32>
    %broadcast_in_dim3A_410 = vector.shape_cast %reduce_min3A_409 : vector<256xi32> to vector<256x1xi32>
    %eq3A_411 = vector.broadcast %broadcast_in_dim3A_410 : vector<256x1xi32> to vector<256x1024xi32>
    %eq3A_412 = arith.cmpi eq, %iota3A, %eq3A_411 : vector<256x1024xi32>
    %jit3A_413 = arith.constant 0x7F800000 : f32
    %broadcast_in_dim3A_414 = vector.broadcast %jit3A_413 : f32 to vector<256x1024xf32>
    %select_n3A_415 = arith.select %eq3A_412, %broadcast_in_dim3A_414, %select_n3A_399 : vector<256x1024xi1>, vector<256x1024xf32>
    %reduce_min3A_416 = arith.constant dense<0x7F800000> : vector<256xf32>
    %reduce_min3A_417 = vector.multi_reduction <minimumf>, %select_n3A_415, %reduce_min3A_416 [1] : vector<256x1024xf32> to vector<256xf32>
    %broadcast_in_dim3A_418 = vector.shape_cast %reduce_min3A_417 : vector<256xf32> to vector<256x1xf32>
    %eq3A_419 = vector.broadcast %broadcast_in_dim3A_418 : vector<256x1xf32> to vector<256x1024xf32>
    %eq3A_420 = arith.cmpf oeq, %select_n3A_415, %eq3A_419 : vector<256x1024xf32>
    %jit3A_421 = arith.constant 1024 : i32
    %broadcast_in_dim3A_422 = vector.broadcast %jit3A_421 : i32 to vector<256x1024xi32>
    %select_n3A_423 = arith.select %eq3A_420, %iota3A, %broadcast_in_dim3A_422 : vector<256x1024xi1>, vector<256x1024xi32>
    %reduce_min3A_424 = arith.constant dense<2147483647> : vector<256xi32>
    %reduce_min3A_425 = vector.multi_reduction <minsi>, %select_n3A_423, %reduce_min3A_424 [1] : vector<256x1024xi32> to vector<256xi32>
    %broadcast_in_dim3A_426 = vector.shape_cast %reduce_min3A_425 : vector<256xi32> to vector<256x1xi32>
    %eq3A_427 = vector.broadcast %broadcast_in_dim3A_426 : vector<256x1xi32> to vector<256x1024xi32>
    %eq3A_428 = arith.cmpi eq, %iota3A, %eq3A_427 : vector<256x1024xi32>
    %jit3A_429 = arith.constant 0x7F800000 : f32
    %broadcast_in_dim3A_430 = vector.broadcast %jit3A_429 : f32 to vector<256x1024xf32>
    %select_n3A_431 = arith.select %eq3A_428, %broadcast_in_dim3A_430, %select_n3A_415 : vector<256x1024xi1>, vector<256x1024xf32>
    %reduce_min3A_432 = arith.constant dense<0x7F800000> : vector<256xf32>
    %reduce_min3A_433 = vector.multi_reduction <minimumf>, %select_n3A_431, %reduce_min3A_432 [1] : vector<256x1024xf32> to vector<256xf32>
    %broadcast_in_dim3A_434 = vector.shape_cast %reduce_min3A_433 : vector<256xf32> to vector<256x1xf32>
    %eq3A_435 = vector.broadcast %broadcast_in_dim3A_434 : vector<256x1xf32> to vector<256x1024xf32>
    %eq3A_436 = arith.cmpf oeq, %select_n3A_431, %eq3A_435 : vector<256x1024xf32>
    %jit3A_437 = arith.constant 1024 : i32
    %broadcast_in_dim3A_438 = vector.broadcast %jit3A_437 : i32 to vector<256x1024xi32>
    %select_n3A_439 = arith.select %eq3A_436, %iota3A, %broadcast_in_dim3A_438 : vector<256x1024xi1>, vector<256x1024xi32>
    %reduce_min3A_440 = arith.constant dense<2147483647> : vector<256xi32>
    %reduce_min3A_441 = vector.multi_reduction <minsi>, %select_n3A_439, %reduce_min3A_440 [1] : vector<256x1024xi32> to vector<256xi32>
    %broadcast_in_dim3A_442 = vector.shape_cast %reduce_min3A_441 : vector<256xi32> to vector<256x1xi32>
    %eq3A_443 = vector.broadcast %broadcast_in_dim3A_442 : vector<256x1xi32> to vector<256x1024xi32>
    %eq3A_444 = arith.cmpi eq, %iota3A, %eq3A_443 : vector<256x1024xi32>
    %jit3A_445 = arith.constant 0x7F800000 : f32
    %broadcast_in_dim3A_446 = vector.broadcast %jit3A_445 : f32 to vector<256x1024xf32>
    %select_n3A_447 = arith.select %eq3A_444, %broadcast_in_dim3A_446, %select_n3A_431 : vector<256x1024xi1>, vector<256x1024xf32>
    %reduce_min3A_448 = arith.constant dense<0x7F800000> : vector<256xf32>
    %reduce_min3A_449 = vector.multi_reduction <minimumf>, %select_n3A_447, %reduce_min3A_448 [1] : vector<256x1024xf32> to vector<256xf32>
    %broadcast_in_dim3A_450 = vector.shape_cast %reduce_min3A_449 : vector<256xf32> to vector<256x1xf32>
    %eq3A_451 = vector.broadcast %broadcast_in_dim3A_450 : vector<256x1xf32> to vector<256x1024xf32>
    %eq3A_452 = arith.cmpf oeq, %select_n3A_447, %eq3A_451 : vector<256x1024xf32>
    %jit3A_453 = arith.constant 1024 : i32
    %broadcast_in_dim3A_454 = vector.broadcast %jit3A_453 : i32 to vector<256x1024xi32>
    %select_n3A_455 = arith.select %eq3A_452, %iota3A, %broadcast_in_dim3A_454 : vector<256x1024xi1>, vector<256x1024xi32>
    %reduce_min3A_456 = arith.constant dense<2147483647> : vector<256xi32>
    %reduce_min3A_457 = vector.multi_reduction <minsi>, %select_n3A_455, %reduce_min3A_456 [1] : vector<256x1024xi32> to vector<256xi32>
    %broadcast_in_dim3A_458 = vector.shape_cast %reduce_min3A_457 : vector<256xi32> to vector<256x1xi32>
    %eq3A_459 = vector.broadcast %broadcast_in_dim3A_458 : vector<256x1xi32> to vector<256x1024xi32>
    %eq3A_460 = arith.cmpi eq, %iota3A, %eq3A_459 : vector<256x1024xi32>
    %jit3A_461 = arith.constant 0x7F800000 : f32
    %broadcast_in_dim3A_462 = vector.broadcast %jit3A_461 : f32 to vector<256x1024xf32>
    %select_n3A_463 = arith.select %eq3A_460, %broadcast_in_dim3A_462, %select_n3A_447 : vector<256x1024xi1>, vector<256x1024xf32>
    %reduce_min3A_464 = arith.constant dense<0x7F800000> : vector<256xf32>
    %reduce_min3A_465 = vector.multi_reduction <minimumf>, %select_n3A_463, %reduce_min3A_464 [1] : vector<256x1024xf32> to vector<256xf32>
    %broadcast_in_dim3A_466 = vector.shape_cast %reduce_min3A_465 : vector<256xf32> to vector<256x1xf32>
    %eq3A_467 = vector.broadcast %broadcast_in_dim3A_466 : vector<256x1xf32> to vector<256x1024xf32>
    %eq3A_468 = arith.cmpf oeq, %select_n3A_463, %eq3A_467 : vector<256x1024xf32>
    %jit3A_469 = arith.constant 1024 : i32
    %broadcast_in_dim3A_470 = vector.broadcast %jit3A_469 : i32 to vector<256x1024xi32>
    %select_n3A_471 = arith.select %eq3A_468, %iota3A, %broadcast_in_dim3A_470 : vector<256x1024xi1>, vector<256x1024xi32>
    %reduce_min3A_472 = arith.constant dense<2147483647> : vector<256xi32>
    %reduce_min3A_473 = vector.multi_reduction <minsi>, %select_n3A_471, %reduce_min3A_472 [1] : vector<256x1024xi32> to vector<256xi32>
    %broadcast_in_dim3A_474 = vector.shape_cast %reduce_min3A_473 : vector<256xi32> to vector<256x1xi32>
    %eq3A_475 = vector.broadcast %broadcast_in_dim3A_474 : vector<256x1xi32> to vector<256x1024xi32>
    %eq3A_476 = arith.cmpi eq, %iota3A, %eq3A_475 : vector<256x1024xi32>
    %jit3A_477 = arith.constant 0x7F800000 : f32
    %broadcast_in_dim3A_478 = vector.broadcast %jit3A_477 : f32 to vector<256x1024xf32>
    %select_n3A_479 = arith.select %eq3A_476, %broadcast_in_dim3A_478, %select_n3A_463 : vector<256x1024xi1>, vector<256x1024xf32>
    %reduce_min3A_480 = arith.constant dense<0x7F800000> : vector<256xf32>
    %reduce_min3A_481 = vector.multi_reduction <minimumf>, %select_n3A_479, %reduce_min3A_480 [1] : vector<256x1024xf32> to vector<256xf32>
    %broadcast_in_dim3A_482 = vector.shape_cast %reduce_min3A_481 : vector<256xf32> to vector<256x1xf32>
    %eq3A_483 = vector.broadcast %broadcast_in_dim3A_482 : vector<256x1xf32> to vector<256x1024xf32>
    %eq3A_484 = arith.cmpf oeq, %select_n3A_479, %eq3A_483 : vector<256x1024xf32>
    %jit3A_485 = arith.constant 1024 : i32
    %broadcast_in_dim3A_486 = vector.broadcast %jit3A_485 : i32 to vector<256x1024xi32>
    %select_n3A_487 = arith.select %eq3A_484, %iota3A, %broadcast_in_dim3A_486 : vector<256x1024xi1>, vector<256x1024xi32>
    %reduce_min3A_488 = arith.constant dense<2147483647> : vector<256xi32>
    %reduce_min3A_489 = vector.multi_reduction <minsi>, %select_n3A_487, %reduce_min3A_488 [1] : vector<256x1024xi32> to vector<256xi32>
    %broadcast_in_dim3A_490 = vector.shape_cast %reduce_min3A_489 : vector<256xi32> to vector<256x1xi32>
    %eq3A_491 = vector.broadcast %broadcast_in_dim3A_490 : vector<256x1xi32> to vector<256x1024xi32>
    %eq3A_492 = arith.cmpi eq, %iota3A, %eq3A_491 : vector<256x1024xi32>
    %jit3A_493 = arith.constant 0x7F800000 : f32
    %broadcast_in_dim3A_494 = vector.broadcast %jit3A_493 : f32 to vector<256x1024xf32>
    %select_n3A_495 = arith.select %eq3A_492, %broadcast_in_dim3A_494, %select_n3A_479 : vector<256x1024xi1>, vector<256x1024xf32>
    %reduce_min3A_496 = arith.constant dense<0x7F800000> : vector<256xf32>
    %reduce_min3A_497 = vector.multi_reduction <minimumf>, %select_n3A_495, %reduce_min3A_496 [1] : vector<256x1024xf32> to vector<256xf32>
    %broadcast_in_dim3A_498 = vector.shape_cast %reduce_min3A_497 : vector<256xf32> to vector<256x1xf32>
    %eq3A_499 = vector.broadcast %broadcast_in_dim3A_498 : vector<256x1xf32> to vector<256x1024xf32>
    %eq3A_500 = arith.cmpf oeq, %select_n3A_495, %eq3A_499 : vector<256x1024xf32>
    %jit3A_501 = arith.constant 1024 : i32
    %broadcast_in_dim3A_502 = vector.broadcast %jit3A_501 : i32 to vector<256x1024xi32>
    %select_n3A_503 = arith.select %eq3A_500, %iota3A, %broadcast_in_dim3A_502 : vector<256x1024xi1>, vector<256x1024xi32>
    %reduce_min3A_504 = arith.constant dense<2147483647> : vector<256xi32>
    %reduce_min3A_505 = vector.multi_reduction <minsi>, %select_n3A_503, %reduce_min3A_504 [1] : vector<256x1024xi32> to vector<256xi32>
    %broadcast_in_dim3A_506 = vector.shape_cast %reduce_min3A_505 : vector<256xi32> to vector<256x1xi32>
    %eq3A_507 = vector.broadcast %broadcast_in_dim3A_506 : vector<256x1xi32> to vector<256x1024xi32>
    %eq3A_508 = arith.cmpi eq, %iota3A, %eq3A_507 : vector<256x1024xi32>
    %jit3A_509 = arith.constant 0x7F800000 : f32
    %broadcast_in_dim3A_510 = vector.broadcast %jit3A_509 : f32 to vector<256x1024xf32>
    %select_n3A_511 = arith.select %eq3A_508, %broadcast_in_dim3A_510, %select_n3A_495 : vector<256x1024xi1>, vector<256x1024xf32>
    %reduce_min3A_512 = arith.constant dense<0x7F800000> : vector<256xf32>
    %reduce_min3A_513 = vector.multi_reduction <minimumf>, %select_n3A_511, %reduce_min3A_512 [1] : vector<256x1024xf32> to vector<256xf32>
    %broadcast_in_dim3A_514 = vector.shape_cast %reduce_min3A_513 : vector<256xf32> to vector<256x1xf32>
    %eq3A_515 = vector.broadcast %broadcast_in_dim3A_514 : vector<256x1xf32> to vector<256x1024xf32>
    %eq3A_516 = arith.cmpf oeq, %select_n3A_511, %eq3A_515 : vector<256x1024xf32>
    %jit3A_517 = arith.constant 1024 : i32
    %broadcast_in_dim3A_518 = vector.broadcast %jit3A_517 : i32 to vector<256x1024xi32>
    %select_n3A_519 = arith.select %eq3A_516, %iota3A, %broadcast_in_dim3A_518 : vector<256x1024xi1>, vector<256x1024xi32>
    %reduce_min3A_520 = arith.constant dense<2147483647> : vector<256xi32>
    %reduce_min3A_521 = vector.multi_reduction <minsi>, %select_n3A_519, %reduce_min3A_520 [1] : vector<256x1024xi32> to vector<256xi32>
    %broadcast_in_dim3A_522 = vector.shape_cast %reduce_min3A_521 : vector<256xi32> to vector<256x1xi32>
    %concatenate3A = tpu.concatenate %broadcast_in_dim3A_53, %broadcast_in_dim3A_66, %broadcast_in_dim3A_82, %broadcast_in_dim3A_98, %broadcast_in_dim3A_114, %broadcast_in_dim3A_130, %broadcast_in_dim3A_146, %broadcast_in_dim3A_162, %broadcast_in_dim3A_178, %broadcast_in_dim3A_194, %broadcast_in_dim3A_210, %broadcast_in_dim3A_226, %broadcast_in_dim3A_242, %broadcast_in_dim3A_258, %broadcast_in_dim3A_274, %broadcast_in_dim3A_290, %broadcast_in_dim3A_306, %broadcast_in_dim3A_322, %broadcast_in_dim3A_338, %broadcast_in_dim3A_354, %broadcast_in_dim3A_370, %broadcast_in_dim3A_386, %broadcast_in_dim3A_402, %broadcast_in_dim3A_418, %broadcast_in_dim3A_434, %broadcast_in_dim3A_450, %broadcast_in_dim3A_466, %broadcast_in_dim3A_482, %broadcast_in_dim3A_498, %broadcast_in_dim3A_514 in 1 : vector<256x1xf32>, vector<256x1xf32>, vector<256x1xf32>, vector<256x1xf32>, vector<256x1xf32>, vector<256x1xf32>, vector<256x1xf32>, vector<256x1xf32>, vector<256x1xf32>, vector<256x1xf32>, vector<256x1xf32>, vector<256x1xf32>, vector<256x1xf32>, vector<256x1xf32>, vector<256x1xf32>, vector<256x1xf32>, vector<256x1xf32>, vector<256x1xf32>, vector<256x1xf32>, vector<256x1xf32>, vector<256x1xf32>, vector<256x1xf32>, vector<256x1xf32>, vector<256x1xf32>, vector<256x1xf32>, vector<256x1xf32>, vector<256x1xf32>, vector<256x1xf32>, vector<256x1xf32>, vector<256x1xf32> -> vector<256x30xf32>
    %swap3A = arith.constant 0 : index
    %swap3A_523 = arith.constant 0 : index
    %swap3A_524 = arith.constant 0 : index
    %swap3A_525 = vector.load %arg6[%swap3A, %swap3A_523, %swap3A_524] : memref<1x256x30xf32, #tpu.memory_space<vmem>>, vector<1x256x30xf32>
    %swap3A_526 = vector.shape_cast %swap3A_525 : vector<1x256x30xf32> to vector<256x30xf32>
    %swap3A_527 = vector.shape_cast %concatenate3A : vector<256x30xf32> to vector<1x256x30xf32>
    tpu.vector_store %arg6[%swap3A, %swap3A_523, %swap3A_524], %swap3A_527 {strides = array<i32>} : memref<1x256x30xf32, #tpu.memory_space<vmem>>, vector<1x256x30xf32>,
    %concatenate3A_528 = tpu.concatenate %broadcast_in_dim3A_58, %broadcast_in_dim3A_74, %broadcast_in_dim3A_90, %broadcast_in_dim3A_106, %broadcast_in_dim3A_122, %broadcast_in_dim3A_138, %broadcast_in_dim3A_154, %broadcast_in_dim3A_170, %broadcast_in_dim3A_186, %broadcast_in_dim3A_202, %broadcast_in_dim3A_218, %broadcast_in_dim3A_234, %broadcast_in_dim3A_250, %broadcast_in_dim3A_266, %broadcast_in_dim3A_282, %broadcast_in_dim3A_298, %broadcast_in_dim3A_314, %broadcast_in_dim3A_330, %broadcast_in_dim3A_346, %broadcast_in_dim3A_362, %broadcast_in_dim3A_378, %broadcast_in_dim3A_394, %broadcast_in_dim3A_410, %broadcast_in_dim3A_426, %broadcast_in_dim3A_442, %broadcast_in_dim3A_458, %broadcast_in_dim3A_474, %broadcast_in_dim3A_490, %broadcast_in_dim3A_506, %broadcast_in_dim3A_522 in 1 : vector<256x1xi32>, vector<256x1xi32>, vector<256x1xi32>, vector<256x1xi32>, vector<256x1xi32>, vector<256x1xi32>, vector<256x1xi32>, vector<256x1xi32>, vector<256x1xi32>, vector<256x1xi32>, vector<256x1xi32>, vector<256x1xi32>, vector<256x1xi32>, vector<256x1xi32>, vector<256x1xi32>, vector<256x1xi32>, vector<256x1xi32>, vector<256x1xi32>, vector<256x1xi32>, vector<256x1xi32>, vector<256x1xi32>, vector<256x1xi32>, vector<256x1xi32>, vector<256x1xi32>, vector<256x1xi32>, vector<256x1xi32>, vector<256x1xi32>, vector<256x1xi32>, vector<256x1xi32>, vector<256x1xi32> -> vector<256x30xi32>
    %swap3A_529 = arith.constant 0 : index
    %swap3A_530 = arith.constant 0 : index
    %swap3A_531 = arith.constant 0 : index
    %swap3A_532 = vector.load %arg7[%swap3A_529, %swap3A_530, %swap3A_531] : memref<1x256x30xi32, #tpu.memory_space<vmem>>, vector<1x256x30xi32>
    %swap3A_533 = vector.shape_cast %swap3A_532 : vector<1x256x30xi32> to vector<256x30xi32>
    %swap3A_534 = vector.shape_cast %concatenate3A_528 : vector<256x30xi32> to vector<1x256x30xi32>
    tpu.vector_store %arg7[%swap3A_529, %swap3A_530, %swap3A_531], %swap3A_534 {strides = array<i32>} : memref<1x256x30xi32, #tpu.memory_space<vmem>>, vector<1x256x30xi32>,
    return
  }
  func.func @transform_0(%arg0: i32, %arg1: i32) -> (i32, i32, i32) {
    %c0_i32 = arith.constant 0 : i32
    %c0_i32_0 = arith.constant 0 : i32
    %c0_i32_1 = arith.constant 0 : i32
    return %arg0, %c0_i32, %c0_i32_0 : i32, i32, i32
  }
  func.func @transform_1(%arg0: i32, %arg1: i32) -> (i32, i32, i32) {
    %c0_i32 = arith.constant 0 : i32
    %c0_i32_0 = arith.constant 0 : i32
    return %arg0, %arg1, %c0_i32 : i32, i32, i32
  }
  func.func @transform_2(%arg0: i32, %arg1: i32) -> (i32, i32, i32) {
    %c0_i32 = arith.constant 0 : i32
    %c0_i32_0 = arith.constant 0 : i32
    %c0_i32_1 = arith.constant 0 : i32
    return %arg0, %c0_i32, %c0_i32_0 : i32, i32, i32
  }
  func.func @transform_3(%arg0: i32, %arg1: i32) -> (i32, i32, i32) {
    %c0_i32 = arith.constant 0 : i32
    %c0_i32_0 = arith.constant 0 : i32
    return %arg0, %arg1, %c0_i32 : i32, i32, i32
  }
  func.func @transform_4(%arg0: i32, %arg1: i32) -> (i32, i32, i32) {
    %c0_i32 = arith.constant 0 : i32
    %c0_i32_0 = arith.constant 0 : i32
    return %arg0, %arg1, %c0_i32 : i32, i32, i32
  }
  func.func @transform_5(%arg0: i32, %arg1: i32) -> (i32, i32, i32) {
    %c0_i32 = arith.constant 0 : i32
    %c0_i32_0 = arith.constant 0 : i32
    return %arg0, %arg1, %c0_i32 : i32, i32, i32
  }
}

module attributes {stable_mosaic.version = 14 : i64} {
  func.func @_node_kernel(%arg0: i32, %arg1: memref<1x1024x3xf32, #tpu.memory_space<vmem>>, %arg2: memref<1x1024x3xf32, #tpu.memory_space<vmem>>, %arg3: memref<1x1024x3xf32, #tpu.memory_space<vmem>>, %arg4: memref<6x256xf32, #tpu.memory_space<vmem>>, %arg5: memref<1x256xf32, #tpu.memory_space<vmem>>, %arg6: memref<1x256xf32, #tpu.memory_space<vmem>>, %arg7: memref<1x256xf32, #tpu.memory_space<vmem>>, %arg8: memref<1x1024x256xf32, #tpu.memory_space<vmem>>, %arg9: memref<1x1024x9xf32, #tpu.memory_space<vmem>>) attributes {dimension_semantics = [#tpu.dimension_semantics<arbitrary>], iteration_bounds = array<i64: 8>, scalar_prefetch = 0 : i64, scratch_operands = 0 : i64, tpu.core_type = #tpu.core_type<tc>, window_params = [{transform_indices = @transform_0, window_bounds = array<i64: 1, 1024, 3>}, {transform_indices = @transform_1, window_bounds = array<i64: 1, 1024, 3>}, {transform_indices = @transform_2, window_bounds = array<i64: 1, 1024, 3>}, {pipeline_mode = #tpu.pipeline_mode<synchronous>, transform_indices = @transform_3, window_bounds = array<i64: 6, 256>}, {pipeline_mode = #tpu.pipeline_mode<synchronous>, transform_indices = @transform_4, window_bounds = array<i64: 1, 256>}, {pipeline_mode = #tpu.pipeline_mode<synchronous>, transform_indices = @transform_5, window_bounds = array<i64: 1, 256>}, {pipeline_mode = #tpu.pipeline_mode<synchronous>, transform_indices = @transform_6, window_bounds = array<i64: 1, 256>}, {transform_indices = @transform_7, window_bounds = array<i64: 1, 1024, 256>}, {transform_indices = @transform_8, window_bounds = array<i64: 1, 1024, 9>}]} {
    %get3A = arith.constant 0 : index
    %get3A_0 = arith.constant 0 : index
    %get3A_1 = arith.constant 0 : index
    %get3A_2 = vector.load %arg1[%get3A, %get3A_0, %get3A_1] : memref<1x1024x3xf32, #tpu.memory_space<vmem>>, vector<1x1024x3xf32>
    %get3A_3 = vector.shape_cast %get3A_2 : vector<1x1024x3xf32> to vector<1024x3xf32>
    %get3A_4 = arith.constant 0 : index
    %get3A_5 = arith.constant 0 : index
    %get3A_6 = arith.constant 0 : index
    %get3A_7 = vector.load %arg2[%get3A_4, %get3A_5, %get3A_6] : memref<1x1024x3xf32, #tpu.memory_space<vmem>>, vector<1x1024x3xf32>
    %get3A_8 = vector.shape_cast %get3A_7 : vector<1x1024x3xf32> to vector<1024x3xf32>
    %get3A_9 = arith.constant 0 : index
    %get3A_10 = arith.constant 0 : index
    %get3A_11 = arith.constant 0 : index
    %get3A_12 = vector.load %arg3[%get3A_9, %get3A_10, %get3A_11] : memref<1x1024x3xf32, #tpu.memory_space<vmem>>, vector<1x1024x3xf32>
    %get3A_13 = vector.shape_cast %get3A_12 : vector<1x1024x3xf32> to vector<1024x3xf32>
    %slice3A = vector.extract_strided_slice %get3A_3 {offsets = [0, 0], sizes = [1024, 1], strides = [1, 1]} : vector<1024x3xf32> to vector<1024x1xf32>
    %slice3A_14 = vector.extract_strided_slice %get3A_3 {offsets = [0, 1], sizes = [1024, 1], strides = [1, 1]} : vector<1024x3xf32> to vector<1024x1xf32>
    %slice3A_15 = vector.extract_strided_slice %get3A_3 {offsets = [0, 2], sizes = [1024, 1], strides = [1, 1]} : vector<1024x3xf32> to vector<1024x1xf32>
    %slice3A_16 = vector.extract_strided_slice %get3A_8 {offsets = [0, 0], sizes = [1024, 1], strides = [1, 1]} : vector<1024x3xf32> to vector<1024x1xf32>
    %slice3A_17 = vector.extract_strided_slice %get3A_8 {offsets = [0, 1], sizes = [1024, 1], strides = [1, 1]} : vector<1024x3xf32> to vector<1024x1xf32>
    %slice3A_18 = vector.extract_strided_slice %get3A_8 {offsets = [0, 2], sizes = [1024, 1], strides = [1, 1]} : vector<1024x3xf32> to vector<1024x1xf32>
    %slice3A_19 = vector.extract_strided_slice %get3A_13 {offsets = [0, 0], sizes = [1024, 1], strides = [1, 1]} : vector<1024x3xf32> to vector<1024x1xf32>
    %slice3A_20 = vector.extract_strided_slice %get3A_13 {offsets = [0, 1], sizes = [1024, 1], strides = [1, 1]} : vector<1024x3xf32> to vector<1024x1xf32>
    %slice3A_21 = vector.extract_strided_slice %get3A_13 {offsets = [0, 2], sizes = [1024, 1], strides = [1, 1]} : vector<1024x3xf32> to vector<1024x1xf32>
    %sub3A = arith.subf %slice3A_16, %slice3A : vector<1024x1xf32>
    %sub3A_22 = arith.subf %slice3A_17, %slice3A_14 : vector<1024x1xf32>
    %sub3A_23 = arith.subf %slice3A_18, %slice3A_15 : vector<1024x1xf32>
    %mul3A = arith.mulf %sub3A, %sub3A : vector<1024x1xf32>
    %mul3A_24 = arith.mulf %sub3A_22, %sub3A_22 : vector<1024x1xf32>
    %add3A = arith.addf %mul3A, %mul3A_24 : vector<1024x1xf32>
    %mul3A_25 = arith.mulf %sub3A_23, %sub3A_23 : vector<1024x1xf32>
    %add3A_26 = arith.addf %add3A, %mul3A_25 : vector<1024x1xf32>
    %sqrt3A = math.sqrt %add3A_26 : vector<1024x1xf32>
    %max3A = arith.constant 9.99999996E-13 : f32
    %max3A_27 = vector.broadcast %max3A : f32 to vector<1024x1xf32>
    %max3A_28 = arith.maximumf %sqrt3A, %max3A_27 : vector<1024x1xf32>
    %div3A = arith.divf %sub3A, %max3A_28 : vector<1024x1xf32>
    %div3A_29 = arith.divf %sub3A_22, %max3A_28 : vector<1024x1xf32>
    %div3A_30 = arith.divf %sub3A_23, %max3A_28 : vector<1024x1xf32>
    %sub3A_31 = arith.subf %slice3A_19, %slice3A_16 : vector<1024x1xf32>
    %sub3A_32 = arith.subf %slice3A_20, %slice3A_17 : vector<1024x1xf32>
    %sub3A_33 = arith.subf %slice3A_21, %slice3A_18 : vector<1024x1xf32>
    %mul3A_34 = arith.mulf %sub3A_31, %sub3A_31 : vector<1024x1xf32>
    %mul3A_35 = arith.mulf %sub3A_32, %sub3A_32 : vector<1024x1xf32>
    %add3A_36 = arith.addf %mul3A_34, %mul3A_35 : vector<1024x1xf32>
    %mul3A_37 = arith.mulf %sub3A_33, %sub3A_33 : vector<1024x1xf32>
    %add3A_38 = arith.addf %add3A_36, %mul3A_37 : vector<1024x1xf32>
    %sqrt3A_39 = math.sqrt %add3A_38 : vector<1024x1xf32>
    %max3A_40 = arith.constant 9.99999996E-13 : f32
    %max3A_41 = vector.broadcast %max3A_40 : f32 to vector<1024x1xf32>
    %max3A_42 = arith.maximumf %sqrt3A_39, %max3A_41 : vector<1024x1xf32>
    %div3A_43 = arith.divf %sub3A_31, %max3A_42 : vector<1024x1xf32>
    %div3A_44 = arith.divf %sub3A_32, %max3A_42 : vector<1024x1xf32>
    %div3A_45 = arith.divf %sub3A_33, %max3A_42 : vector<1024x1xf32>
    %broadcast_in_dim3A = arith.constant 0.000000e+00 : f32
    %broadcast_in_dim3A_46 = vector.broadcast %broadcast_in_dim3A : f32 to vector<1x1xf32>
    %slice3A_47 = vector.extract_strided_slice %slice3A {offsets = [1, 0], sizes = [1023, 1], strides = [1, 1]} : vector<1024x1xf32> to vector<1023x1xf32>
    %concatenate3A = tpu.concatenate %slice3A_47, %broadcast_in_dim3A_46 in 0 : vector<1023x1xf32>, vector<1x1xf32> -> vector<1024x1xf32>
    %slice3A_48 = vector.extract_strided_slice %slice3A_14 {offsets = [1, 0], sizes = [1023, 1], strides = [1, 1]} : vector<1024x1xf32> to vector<1023x1xf32>
    %concatenate3A_49 = tpu.concatenate %slice3A_48, %broadcast_in_dim3A_46 in 0 : vector<1023x1xf32>, vector<1x1xf32> -> vector<1024x1xf32>
    %slice3A_50 = vector.extract_strided_slice %slice3A_15 {offsets = [1, 0], sizes = [1023, 1], strides = [1, 1]} : vector<1024x1xf32> to vector<1023x1xf32>
    %concatenate3A_51 = tpu.concatenate %slice3A_50, %broadcast_in_dim3A_46 in 0 : vector<1023x1xf32>, vector<1x1xf32> -> vector<1024x1xf32>
    %sub3A_52 = arith.subf %concatenate3A, %slice3A_19 : vector<1024x1xf32>
    %sub3A_53 = arith.subf %concatenate3A_49, %slice3A_20 : vector<1024x1xf32>
    %sub3A_54 = arith.subf %concatenate3A_51, %slice3A_21 : vector<1024x1xf32>
    %mul3A_55 = arith.mulf %sub3A_52, %sub3A_52 : vector<1024x1xf32>
    %mul3A_56 = arith.mulf %sub3A_53, %sub3A_53 : vector<1024x1xf32>
    %add3A_57 = arith.addf %mul3A_55, %mul3A_56 : vector<1024x1xf32>
    %mul3A_58 = arith.mulf %sub3A_54, %sub3A_54 : vector<1024x1xf32>
    %add3A_59 = arith.addf %add3A_57, %mul3A_58 : vector<1024x1xf32>
    %sqrt3A_60 = math.sqrt %add3A_59 : vector<1024x1xf32>
    %max3A_61 = arith.constant 9.99999996E-13 : f32
    %max3A_62 = vector.broadcast %max3A_61 : f32 to vector<1024x1xf32>
    %max3A_63 = arith.maximumf %sqrt3A_60, %max3A_62 : vector<1024x1xf32>
    %div3A_64 = arith.divf %sub3A_52, %max3A_63 : vector<1024x1xf32>
    %div3A_65 = arith.divf %sub3A_53, %max3A_63 : vector<1024x1xf32>
    %div3A_66 = arith.divf %sub3A_54, %max3A_63 : vector<1024x1xf32>
    %slice3A_67 = vector.extract_strided_slice %div3A_64 {offsets = [0, 0], sizes = [1023, 1], strides = [1, 1]} : vector<1024x1xf32> to vector<1023x1xf32>
    %concatenate3A_68 = tpu.concatenate %broadcast_in_dim3A_46, %slice3A_67 in 0 : vector<1x1xf32>, vector<1023x1xf32> -> vector<1024x1xf32>
    %slice3A_69 = vector.extract_strided_slice %div3A_65 {offsets = [0, 0], sizes = [1023, 1], strides = [1, 1]} : vector<1024x1xf32> to vector<1023x1xf32>
    %concatenate3A_70 = tpu.concatenate %broadcast_in_dim3A_46, %slice3A_69 in 0 : vector<1x1xf32>, vector<1023x1xf32> -> vector<1024x1xf32>
    %slice3A_71 = vector.extract_strided_slice %div3A_66 {offsets = [0, 0], sizes = [1023, 1], strides = [1, 1]} : vector<1024x1xf32> to vector<1023x1xf32>
    %concatenate3A_72 = tpu.concatenate %broadcast_in_dim3A_46, %slice3A_71 in 0 : vector<1x1xf32>, vector<1023x1xf32> -> vector<1024x1xf32>
    %mul3A_73 = arith.mulf %concatenate3A_70, %div3A_30 : vector<1024x1xf32>
    %mul3A_74 = arith.mulf %concatenate3A_72, %div3A_29 : vector<1024x1xf32>
    %sub3A_75 = arith.subf %mul3A_73, %mul3A_74 : vector<1024x1xf32>
    %mul3A_76 = arith.mulf %concatenate3A_72, %div3A : vector<1024x1xf32>
    %mul3A_77 = arith.mulf %concatenate3A_68, %div3A_30 : vector<1024x1xf32>
    %sub3A_78 = arith.subf %mul3A_76, %mul3A_77 : vector<1024x1xf32>
    %mul3A_79 = arith.mulf %concatenate3A_68, %div3A_29 : vector<1024x1xf32>
    %mul3A_80 = arith.mulf %concatenate3A_70, %div3A : vector<1024x1xf32>
    %sub3A_81 = arith.subf %mul3A_79, %mul3A_80 : vector<1024x1xf32>
    %mul3A_82 = arith.mulf %sub3A_75, %sub3A_75 : vector<1024x1xf32>
    %mul3A_83 = arith.mulf %sub3A_78, %sub3A_78 : vector<1024x1xf32>
    %add3A_84 = arith.addf %mul3A_82, %mul3A_83 : vector<1024x1xf32>
    %mul3A_85 = arith.mulf %sub3A_81, %sub3A_81 : vector<1024x1xf32>
    %add3A_86 = arith.addf %add3A_84, %mul3A_85 : vector<1024x1xf32>
    %sqrt3A_87 = math.sqrt %add3A_86 : vector<1024x1xf32>
    %max3A_88 = arith.constant 9.99999996E-13 : f32
    %max3A_89 = vector.broadcast %max3A_88 : f32 to vector<1024x1xf32>
    %max3A_90 = arith.maximumf %sqrt3A_87, %max3A_89 : vector<1024x1xf32>
    %div3A_91 = arith.divf %sub3A_75, %max3A_90 : vector<1024x1xf32>
    %div3A_92 = arith.divf %sub3A_78, %max3A_90 : vector<1024x1xf32>
    %div3A_93 = arith.divf %sub3A_81, %max3A_90 : vector<1024x1xf32>
    %mul3A_94 = arith.mulf %div3A_29, %div3A_45 : vector<1024x1xf32>
    %mul3A_95 = arith.mulf %div3A_30, %div3A_44 : vector<1024x1xf32>
    %sub3A_96 = arith.subf %mul3A_94, %mul3A_95 : vector<1024x1xf32>
    %mul3A_97 = arith.mulf %div3A_30, %div3A_43 : vector<1024x1xf32>
    %mul3A_98 = arith.mulf %div3A, %div3A_45 : vector<1024x1xf32>
    %sub3A_99 = arith.subf %mul3A_97, %mul3A_98 : vector<1024x1xf32>
    %mul3A_100 = arith.mulf %div3A, %div3A_44 : vector<1024x1xf32>
    %mul3A_101 = arith.mulf %div3A_29, %div3A_43 : vector<1024x1xf32>
    %sub3A_102 = arith.subf %mul3A_100, %mul3A_101 : vector<1024x1xf32>
    %mul3A_103 = arith.mulf %sub3A_96, %sub3A_96 : vector<1024x1xf32>
    %mul3A_104 = arith.mulf %sub3A_99, %sub3A_99 : vector<1024x1xf32>
    %add3A_105 = arith.addf %mul3A_103, %mul3A_104 : vector<1024x1xf32>
    %mul3A_106 = arith.mulf %sub3A_102, %sub3A_102 : vector<1024x1xf32>
    %add3A_107 = arith.addf %add3A_105, %mul3A_106 : vector<1024x1xf32>
    %sqrt3A_108 = math.sqrt %add3A_107 : vector<1024x1xf32>
    %max3A_109 = arith.constant 9.99999996E-13 : f32
    %max3A_110 = vector.broadcast %max3A_109 : f32 to vector<1024x1xf32>
    %max3A_111 = arith.maximumf %sqrt3A_108, %max3A_110 : vector<1024x1xf32>
    %div3A_112 = arith.divf %sub3A_96, %max3A_111 : vector<1024x1xf32>
    %div3A_113 = arith.divf %sub3A_99, %max3A_111 : vector<1024x1xf32>
    %div3A_114 = arith.divf %sub3A_102, %max3A_111 : vector<1024x1xf32>
    %mul3A_115 = arith.mulf %div3A_44, %div3A_66 : vector<1024x1xf32>
    %mul3A_116 = arith.mulf %div3A_45, %div3A_65 : vector<1024x1xf32>
    %sub3A_117 = arith.subf %mul3A_115, %mul3A_116 : vector<1024x1xf32>
    %mul3A_118 = arith.mulf %div3A_45, %div3A_64 : vector<1024x1xf32>
    %mul3A_119 = arith.mulf %div3A_43, %div3A_66 : vector<1024x1xf32>
    %sub3A_120 = arith.subf %mul3A_118, %mul3A_119 : vector<1024x1xf32>
    %mul3A_121 = arith.mulf %div3A_43, %div3A_65 : vector<1024x1xf32>
    %mul3A_122 = arith.mulf %div3A_44, %div3A_64 : vector<1024x1xf32>
    %sub3A_123 = arith.subf %mul3A_121, %mul3A_122 : vector<1024x1xf32>
    %mul3A_124 = arith.mulf %sub3A_117, %sub3A_117 : vector<1024x1xf32>
    %mul3A_125 = arith.mulf %sub3A_120, %sub3A_120 : vector<1024x1xf32>
    %add3A_126 = arith.addf %mul3A_124, %mul3A_125 : vector<1024x1xf32>
    %mul3A_127 = arith.mulf %sub3A_123, %sub3A_123 : vector<1024x1xf32>
    %add3A_128 = arith.addf %add3A_126, %mul3A_127 : vector<1024x1xf32>
    %sqrt3A_129 = math.sqrt %add3A_128 : vector<1024x1xf32>
    %max3A_130 = arith.constant 9.99999996E-13 : f32
    %max3A_131 = vector.broadcast %max3A_130 : f32 to vector<1024x1xf32>
    %max3A_132 = arith.maximumf %sqrt3A_129, %max3A_131 : vector<1024x1xf32>
    %div3A_133 = arith.divf %sub3A_117, %max3A_132 : vector<1024x1xf32>
    %div3A_134 = arith.divf %sub3A_120, %max3A_132 : vector<1024x1xf32>
    %div3A_135 = arith.divf %sub3A_123, %max3A_132 : vector<1024x1xf32>
    %broadcast_in_dim3A_136 = arith.constant 0.000000e+00 : f32
    %broadcast_in_dim3A_137 = vector.broadcast %broadcast_in_dim3A_136 : f32 to vector<1x1xf32>
    %slice3A_138 = vector.extract_strided_slice %div3A {offsets = [1, 0], sizes = [1023, 1], strides = [1, 1]} : vector<1024x1xf32> to vector<1023x1xf32>
    %concatenate3A_139 = tpu.concatenate %slice3A_138, %broadcast_in_dim3A_137 in 0 : vector<1023x1xf32>, vector<1x1xf32> -> vector<1024x1xf32>
    %slice3A_140 = vector.extract_strided_slice %div3A_29 {offsets = [1, 0], sizes = [1023, 1], strides = [1, 1]} : vector<1024x1xf32> to vector<1023x1xf32>
    %concatenate3A_141 = tpu.concatenate %slice3A_140, %broadcast_in_dim3A_137 in 0 : vector<1023x1xf32>, vector<1x1xf32> -> vector<1024x1xf32>
    %slice3A_142 = vector.extract_strided_slice %div3A_30 {offsets = [1, 0], sizes = [1023, 1], strides = [1, 1]} : vector<1024x1xf32> to vector<1023x1xf32>
    %concatenate3A_143 = tpu.concatenate %slice3A_142, %broadcast_in_dim3A_137 in 0 : vector<1023x1xf32>, vector<1x1xf32> -> vector<1024x1xf32>
    %mul3A_144 = arith.mulf %div3A_65, %concatenate3A_143 : vector<1024x1xf32>
    %mul3A_145 = arith.mulf %div3A_66, %concatenate3A_141 : vector<1024x1xf32>
    %sub3A_146 = arith.subf %mul3A_144, %mul3A_145 : vector<1024x1xf32>
    %mul3A_147 = arith.mulf %div3A_66, %concatenate3A_139 : vector<1024x1xf32>
    %mul3A_148 = arith.mulf %div3A_64, %concatenate3A_143 : vector<1024x1xf32>
    %sub3A_149 = arith.subf %mul3A_147, %mul3A_148 : vector<1024x1xf32>
    %mul3A_150 = arith.mulf %div3A_64, %concatenate3A_141 : vector<1024x1xf32>
    %mul3A_151 = arith.mulf %div3A_65, %concatenate3A_139 : vector<1024x1xf32>
    %sub3A_152 = arith.subf %mul3A_150, %mul3A_151 : vector<1024x1xf32>
    %mul3A_153 = arith.mulf %sub3A_146, %sub3A_146 : vector<1024x1xf32>
    %mul3A_154 = arith.mulf %sub3A_149, %sub3A_149 : vector<1024x1xf32>
    %add3A_155 = arith.addf %mul3A_153, %mul3A_154 : vector<1024x1xf32>
    %mul3A_156 = arith.mulf %sub3A_152, %sub3A_152 : vector<1024x1xf32>
    %add3A_157 = arith.addf %add3A_155, %mul3A_156 : vector<1024x1xf32>
    %sqrt3A_158 = math.sqrt %add3A_157 : vector<1024x1xf32>
    %max3A_159 = arith.constant 9.99999996E-13 : f32
    %max3A_160 = vector.broadcast %max3A_159 : f32 to vector<1024x1xf32>
    %max3A_161 = arith.maximumf %sqrt3A_158, %max3A_160 : vector<1024x1xf32>
    %div3A_162 = arith.divf %sub3A_146, %max3A_161 : vector<1024x1xf32>
    %div3A_163 = arith.divf %sub3A_149, %max3A_161 : vector<1024x1xf32>
    %div3A_164 = arith.divf %sub3A_152, %max3A_161 : vector<1024x1xf32>
    %iota3A = tpu.iota {dimensions = array<i32: 0>} : vector<1024x1xi32>
    %eq3A = arith.constant 0 : i32
    %eq3A_165 = vector.broadcast %eq3A : i32 to vector<1024x1xi32>
    %eq3A_166 = arith.cmpi eq, %iota3A, %eq3A_165 : vector<1024x1xi32>
    %eq3A_167 = arith.constant 1023 : i32
    %eq3A_168 = vector.broadcast %eq3A_167 : i32 to vector<1024x1xi32>
    %eq3A_169 = arith.cmpi eq, %iota3A, %eq3A_168 : vector<1024x1xi32>
    %mul3A_170 = arith.mulf %div3A_91, %div3A_112 : vector<1024x1xf32>
    %mul3A_171 = arith.mulf %div3A_92, %div3A_113 : vector<1024x1xf32>
    %add3A_172 = arith.addf %mul3A_170, %mul3A_171 : vector<1024x1xf32>
    %mul3A_173 = arith.mulf %div3A_93, %div3A_114 : vector<1024x1xf32>
    %add3A_174 = arith.addf %add3A_172, %mul3A_173 : vector<1024x1xf32>
    %jit3A = arith.constant -0.99999988 : f32
    %jit3A_175 = arith.constant 0.99999988 : f32
    %max3A_176 = vector.broadcast %jit3A : f32 to vector<1024x1xf32>
    %max3A_177 = arith.maximumf %max3A_176, %add3A_174 : vector<1024x1xf32>
    %min3A = vector.broadcast %jit3A_175 : f32 to vector<1024x1xf32>
    %min3A_178 = arith.minimumf %min3A, %max3A_177 : vector<1024x1xf32>
    %mul3A_179 = arith.mulf %concatenate3A_68, %div3A_112 : vector<1024x1xf32>
    %mul3A_180 = arith.mulf %concatenate3A_70, %div3A_113 : vector<1024x1xf32>
    %add3A_181 = arith.addf %mul3A_179, %mul3A_180 : vector<1024x1xf32>
    %mul3A_182 = arith.mulf %concatenate3A_72, %div3A_114 : vector<1024x1xf32>
    %add3A_183 = arith.addf %add3A_181, %mul3A_182 : vector<1024x1xf32>
    %sign3A = tpu.bitcast %add3A_183 : vector<1024x1xf32> -> vector<1024x1xi32>
    %sign3A_184 = arith.constant -2147483648 : i32
    %sign3A_185 = vector.broadcast %sign3A_184 : i32 to vector<1024x1xi32>
    %sign3A_186 = arith.andi %sign3A, %sign3A_185 : vector<1024x1xi32>
    %sign3A_187 = arith.constant 1065353216 : i32
    %sign3A_188 = vector.broadcast %sign3A_187 : i32 to vector<1024x1xi32>
    %sign3A_189 = arith.ori %sign3A_188, %sign3A_186 : vector<1024x1xi32>
    %sign3A_190 = tpu.bitcast %sign3A_189 : vector<1024x1xi32> -> vector<1024x1xf32>
    %sign3A_191 = math.absf %add3A_183 : vector<1024x1xf32>
    %sign3A_192 = arith.constant 0.000000e+00 : f32
    %sign3A_193 = vector.broadcast %sign3A_192 : f32 to vector<1024x1xf32>
    %sign3A_194 = arith.cmpf ogt, %sign3A_191, %sign3A_193 : vector<1024x1xf32>
    %sign3A_195 = arith.select %sign3A_194, %sign3A_190, %add3A_183 : vector<1024x1xi1>, vector<1024x1xf32>
    %mul3A_196 = arith.mulf %min3A_178, %min3A_178 : vector<1024x1xf32>
    %sub3A_197 = arith.constant 1.000000e+00 : f32
    %sub3A_198 = vector.broadcast %sub3A_197 : f32 to vector<1024x1xf32>
    %sub3A_199 = arith.subf %sub3A_198, %mul3A_196 : vector<1024x1xf32>
    %sqrt3A_200 = math.sqrt %sub3A_199 : vector<1024x1xf32>
    %mul3A_201 = arith.mulf %sign3A_195, %sqrt3A_200 : vector<1024x1xf32>
    %jit3A_202 = arith.constant 1.000000e+00 : f32
    %broadcast_in_dim3A_203 = vector.broadcast %jit3A_202 : f32 to vector<1024x1xf32>
    %select_n3A = arith.select %eq3A_166, %broadcast_in_dim3A_203, %min3A_178 : vector<1024x1xi1>, vector<1024x1xf32>
    %jit3A_204 = arith.constant 0.000000e+00 : f32
    %broadcast_in_dim3A_205 = vector.broadcast %jit3A_204 : f32 to vector<1024x1xf32>
    %select_n3A_206 = arith.select %eq3A_166, %broadcast_in_dim3A_205, %mul3A_201 : vector<1024x1xi1>, vector<1024x1xf32>
    %mul3A_207 = arith.mulf %div3A_112, %div3A_133 : vector<1024x1xf32>
    %mul3A_208 = arith.mulf %div3A_113, %div3A_134 : vector<1024x1xf32>
    %add3A_209 = arith.addf %mul3A_207, %mul3A_208 : vector<1024x1xf32>
    %mul3A_210 = arith.mulf %div3A_114, %div3A_135 : vector<1024x1xf32>
    %add3A_211 = arith.addf %add3A_209, %mul3A_210 : vector<1024x1xf32>
    %jit3A_212 = arith.constant -0.99999988 : f32
    %jit3A_213 = arith.constant 0.99999988 : f32
    %max3A_214 = vector.broadcast %jit3A_212 : f32 to vector<1024x1xf32>
    %max3A_215 = arith.maximumf %max3A_214, %add3A_211 : vector<1024x1xf32>
    %min3A_216 = vector.broadcast %jit3A_213 : f32 to vector<1024x1xf32>
    %min3A_217 = arith.minimumf %min3A_216, %max3A_215 : vector<1024x1xf32>
    %mul3A_218 = arith.mulf %div3A, %div3A_133 : vector<1024x1xf32>
    %mul3A_219 = arith.mulf %div3A_29, %div3A_134 : vector<1024x1xf32>
    %add3A_220 = arith.addf %mul3A_218, %mul3A_219 : vector<1024x1xf32>
    %mul3A_221 = arith.mulf %div3A_30, %div3A_135 : vector<1024x1xf32>
    %add3A_222 = arith.addf %add3A_220, %mul3A_221 : vector<1024x1xf32>
    %sign3A_223 = tpu.bitcast %add3A_222 : vector<1024x1xf32> -> vector<1024x1xi32>
    %sign3A_224 = arith.constant -2147483648 : i32
    %sign3A_225 = vector.broadcast %sign3A_224 : i32 to vector<1024x1xi32>
    %sign3A_226 = arith.andi %sign3A_223, %sign3A_225 : vector<1024x1xi32>
    %sign3A_227 = arith.constant 1065353216 : i32
    %sign3A_228 = vector.broadcast %sign3A_227 : i32 to vector<1024x1xi32>
    %sign3A_229 = arith.ori %sign3A_228, %sign3A_226 : vector<1024x1xi32>
    %sign3A_230 = tpu.bitcast %sign3A_229 : vector<1024x1xi32> -> vector<1024x1xf32>
    %sign3A_231 = math.absf %add3A_222 : vector<1024x1xf32>
    %sign3A_232 = arith.constant 0.000000e+00 : f32
    %sign3A_233 = vector.broadcast %sign3A_232 : f32 to vector<1024x1xf32>
    %sign3A_234 = arith.cmpf ogt, %sign3A_231, %sign3A_233 : vector<1024x1xf32>
    %sign3A_235 = arith.select %sign3A_234, %sign3A_230, %add3A_222 : vector<1024x1xi1>, vector<1024x1xf32>
    %mul3A_236 = arith.mulf %min3A_217, %min3A_217 : vector<1024x1xf32>
    %sub3A_237 = arith.constant 1.000000e+00 : f32
    %sub3A_238 = vector.broadcast %sub3A_237 : f32 to vector<1024x1xf32>
    %sub3A_239 = arith.subf %sub3A_238, %mul3A_236 : vector<1024x1xf32>
    %sqrt3A_240 = math.sqrt %sub3A_239 : vector<1024x1xf32>
    %mul3A_241 = arith.mulf %sign3A_235, %sqrt3A_240 : vector<1024x1xf32>
    %jit3A_242 = arith.constant 1.000000e+00 : f32
    %broadcast_in_dim3A_243 = vector.broadcast %jit3A_242 : f32 to vector<1024x1xf32>
    %select_n3A_244 = arith.select %eq3A_169, %broadcast_in_dim3A_243, %min3A_217 : vector<1024x1xi1>, vector<1024x1xf32>
    %jit3A_245 = arith.constant 0.000000e+00 : f32
    %broadcast_in_dim3A_246 = vector.broadcast %jit3A_245 : f32 to vector<1024x1xf32>
    %select_n3A_247 = arith.select %eq3A_169, %broadcast_in_dim3A_246, %mul3A_241 : vector<1024x1xi1>, vector<1024x1xf32>
    %mul3A_248 = arith.mulf %div3A_133, %div3A_162 : vector<1024x1xf32>
    %mul3A_249 = arith.mulf %div3A_134, %div3A_163 : vector<1024x1xf32>
    %add3A_250 = arith.addf %mul3A_248, %mul3A_249 : vector<1024x1xf32>
    %mul3A_251 = arith.mulf %div3A_135, %div3A_164 : vector<1024x1xf32>
    %add3A_252 = arith.addf %add3A_250, %mul3A_251 : vector<1024x1xf32>
    %jit3A_253 = arith.constant -0.99999988 : f32
    %jit3A_254 = arith.constant 0.99999988 : f32
    %max3A_255 = vector.broadcast %jit3A_253 : f32 to vector<1024x1xf32>
    %max3A_256 = arith.maximumf %max3A_255, %add3A_252 : vector<1024x1xf32>
    %min3A_257 = vector.broadcast %jit3A_254 : f32 to vector<1024x1xf32>
    %min3A_258 = arith.minimumf %min3A_257, %max3A_256 : vector<1024x1xf32>
    %mul3A_259 = arith.mulf %div3A_43, %div3A_162 : vector<1024x1xf32>
    %mul3A_260 = arith.mulf %div3A_44, %div3A_163 : vector<1024x1xf32>
    %add3A_261 = arith.addf %mul3A_259, %mul3A_260 : vector<1024x1xf32>
    %mul3A_262 = arith.mulf %div3A_45, %div3A_164 : vector<1024x1xf32>
    %add3A_263 = arith.addf %add3A_261, %mul3A_262 : vector<1024x1xf32>
    %sign3A_264 = tpu.bitcast %add3A_263 : vector<1024x1xf32> -> vector<1024x1xi32>
    %sign3A_265 = arith.constant -2147483648 : i32
    %sign3A_266 = vector.broadcast %sign3A_265 : i32 to vector<1024x1xi32>
    %sign3A_267 = arith.andi %sign3A_264, %sign3A_266 : vector<1024x1xi32>
    %sign3A_268 = arith.constant 1065353216 : i32
    %sign3A_269 = vector.broadcast %sign3A_268 : i32 to vector<1024x1xi32>
    %sign3A_270 = arith.ori %sign3A_269, %sign3A_267 : vector<1024x1xi32>
    %sign3A_271 = tpu.bitcast %sign3A_270 : vector<1024x1xi32> -> vector<1024x1xf32>
    %sign3A_272 = math.absf %add3A_263 : vector<1024x1xf32>
    %sign3A_273 = arith.constant 0.000000e+00 : f32
    %sign3A_274 = vector.broadcast %sign3A_273 : f32 to vector<1024x1xf32>
    %sign3A_275 = arith.cmpf ogt, %sign3A_272, %sign3A_274 : vector<1024x1xf32>
    %sign3A_276 = arith.select %sign3A_275, %sign3A_271, %add3A_263 : vector<1024x1xi1>, vector<1024x1xf32>
    %mul3A_277 = arith.mulf %min3A_258, %min3A_258 : vector<1024x1xf32>
    %sub3A_278 = arith.constant 1.000000e+00 : f32
    %sub3A_279 = vector.broadcast %sub3A_278 : f32 to vector<1024x1xf32>
    %sub3A_280 = arith.subf %sub3A_279, %mul3A_277 : vector<1024x1xf32>
    %sqrt3A_281 = math.sqrt %sub3A_280 : vector<1024x1xf32>
    %mul3A_282 = arith.mulf %sign3A_276, %sqrt3A_281 : vector<1024x1xf32>
    %jit3A_283 = arith.constant 1.000000e+00 : f32
    %broadcast_in_dim3A_284 = vector.broadcast %jit3A_283 : f32 to vector<1024x1xf32>
    %select_n3A_285 = arith.select %eq3A_169, %broadcast_in_dim3A_284, %min3A_258 : vector<1024x1xi1>, vector<1024x1xf32>
    %jit3A_286 = arith.constant 0.000000e+00 : f32
    %broadcast_in_dim3A_287 = vector.broadcast %jit3A_286 : f32 to vector<1024x1xf32>
    %select_n3A_288 = arith.select %eq3A_169, %broadcast_in_dim3A_287, %mul3A_282 : vector<1024x1xi1>, vector<1024x1xf32>
    %concatenate3A_289 = tpu.concatenate %select_n3A, %select_n3A_244, %select_n3A_285, %select_n3A_206, %select_n3A_247, %select_n3A_288 in 1 : vector<1024x1xf32>, vector<1024x1xf32>, vector<1024x1xf32>, vector<1024x1xf32>, vector<1024x1xf32>, vector<1024x1xf32> -> vector<1024x6xf32>
    %sub3A_290 = arith.subf %slice3A_16, %slice3A : vector<1024x1xf32>
    %sub3A_291 = arith.subf %slice3A_17, %slice3A_14 : vector<1024x1xf32>
    %sub3A_292 = arith.subf %slice3A_18, %slice3A_15 : vector<1024x1xf32>
    %mul3A_293 = arith.mulf %sub3A_290, %sub3A_290 : vector<1024x1xf32>
    %mul3A_294 = arith.mulf %sub3A_291, %sub3A_291 : vector<1024x1xf32>
    %add3A_295 = arith.addf %mul3A_293, %mul3A_294 : vector<1024x1xf32>
    %mul3A_296 = arith.mulf %sub3A_292, %sub3A_292 : vector<1024x1xf32>
    %add3A_297 = arith.addf %add3A_295, %mul3A_296 : vector<1024x1xf32>
    %sqrt3A_298 = math.sqrt %add3A_297 : vector<1024x1xf32>
    %max3A_299 = arith.constant 9.99999996E-13 : f32
    %max3A_300 = vector.broadcast %max3A_299 : f32 to vector<1024x1xf32>
    %max3A_301 = arith.maximumf %sqrt3A_298, %max3A_300 : vector<1024x1xf32>
    %div3A_302 = arith.divf %sub3A_290, %max3A_301 : vector<1024x1xf32>
    %div3A_303 = arith.divf %sub3A_291, %max3A_301 : vector<1024x1xf32>
    %div3A_304 = arith.divf %sub3A_292, %max3A_301 : vector<1024x1xf32>
    %sub3A_305 = arith.subf %slice3A_19, %slice3A_16 : vector<1024x1xf32>
    %sub3A_306 = arith.subf %slice3A_20, %slice3A_17 : vector<1024x1xf32>
    %sub3A_307 = arith.subf %slice3A_21, %slice3A_18 : vector<1024x1xf32>
    %mul3A_308 = arith.mulf %sub3A_305, %sub3A_305 : vector<1024x1xf32>
    %mul3A_309 = arith.mulf %sub3A_306, %sub3A_306 : vector<1024x1xf32>
    %add3A_310 = arith.addf %mul3A_308, %mul3A_309 : vector<1024x1xf32>
    %mul3A_311 = arith.mulf %sub3A_307, %sub3A_307 : vector<1024x1xf32>
    %add3A_312 = arith.addf %add3A_310, %mul3A_311 : vector<1024x1xf32>
    %sqrt3A_313 = math.sqrt %add3A_312 : vector<1024x1xf32>
    %max3A_314 = arith.constant 9.99999996E-13 : f32
    %max3A_315 = vector.broadcast %max3A_314 : f32 to vector<1024x1xf32>
    %max3A_316 = arith.maximumf %sqrt3A_313, %max3A_315 : vector<1024x1xf32>
    %div3A_317 = arith.divf %sub3A_305, %max3A_316 : vector<1024x1xf32>
    %div3A_318 = arith.divf %sub3A_306, %max3A_316 : vector<1024x1xf32>
    %div3A_319 = arith.divf %sub3A_307, %max3A_316 : vector<1024x1xf32>
    %mul3A_320 = arith.mulf %div3A_303, %div3A_319 : vector<1024x1xf32>
    %mul3A_321 = arith.mulf %div3A_304, %div3A_318 : vector<1024x1xf32>
    %sub3A_322 = arith.subf %mul3A_320, %mul3A_321 : vector<1024x1xf32>
    %mul3A_323 = arith.mulf %div3A_304, %div3A_317 : vector<1024x1xf32>
    %mul3A_324 = arith.mulf %div3A_302, %div3A_319 : vector<1024x1xf32>
    %sub3A_325 = arith.subf %mul3A_323, %mul3A_324 : vector<1024x1xf32>
    %mul3A_326 = arith.mulf %div3A_302, %div3A_318 : vector<1024x1xf32>
    %mul3A_327 = arith.mulf %div3A_303, %div3A_317 : vector<1024x1xf32>
    %sub3A_328 = arith.subf %mul3A_326, %mul3A_327 : vector<1024x1xf32>
    %mul3A_329 = arith.mulf %sub3A_322, %sub3A_322 : vector<1024x1xf32>
    %mul3A_330 = arith.mulf %sub3A_325, %sub3A_325 : vector<1024x1xf32>
    %add3A_331 = arith.addf %mul3A_329, %mul3A_330 : vector<1024x1xf32>
    %mul3A_332 = arith.mulf %sub3A_328, %sub3A_328 : vector<1024x1xf32>
    %add3A_333 = arith.addf %add3A_331, %mul3A_332 : vector<1024x1xf32>
    %sqrt3A_334 = math.sqrt %add3A_333 : vector<1024x1xf32>
    %max3A_335 = arith.constant 9.99999996E-13 : f32
    %max3A_336 = vector.broadcast %max3A_335 : f32 to vector<1024x1xf32>
    %max3A_337 = arith.maximumf %sqrt3A_334, %max3A_336 : vector<1024x1xf32>
    %div3A_338 = arith.divf %sub3A_322, %max3A_337 : vector<1024x1xf32>
    %div3A_339 = arith.divf %sub3A_325, %max3A_337 : vector<1024x1xf32>
    %div3A_340 = arith.divf %sub3A_328, %max3A_337 : vector<1024x1xf32>
    %sub3A_341 = arith.subf %div3A_317, %div3A_302 : vector<1024x1xf32>
    %sub3A_342 = arith.subf %div3A_318, %div3A_303 : vector<1024x1xf32>
    %sub3A_343 = arith.subf %div3A_319, %div3A_304 : vector<1024x1xf32>
    %mul3A_344 = arith.mulf %sub3A_341, %sub3A_341 : vector<1024x1xf32>
    %mul3A_345 = arith.mulf %sub3A_342, %sub3A_342 : vector<1024x1xf32>
    %add3A_346 = arith.addf %mul3A_344, %mul3A_345 : vector<1024x1xf32>
    %mul3A_347 = arith.mulf %sub3A_343, %sub3A_343 : vector<1024x1xf32>
    %add3A_348 = arith.addf %add3A_346, %mul3A_347 : vector<1024x1xf32>
    %sqrt3A_349 = math.sqrt %add3A_348 : vector<1024x1xf32>
    %max3A_350 = arith.constant 9.99999996E-13 : f32
    %max3A_351 = vector.broadcast %max3A_350 : f32 to vector<1024x1xf32>
    %max3A_352 = arith.maximumf %sqrt3A_349, %max3A_351 : vector<1024x1xf32>
    %div3A_353 = arith.divf %sub3A_341, %max3A_352 : vector<1024x1xf32>
    %div3A_354 = arith.divf %sub3A_342, %max3A_352 : vector<1024x1xf32>
    %div3A_355 = arith.divf %sub3A_343, %max3A_352 : vector<1024x1xf32>
    %mul3A_356 = arith.mulf %div3A_354, %div3A_340 : vector<1024x1xf32>
    %mul3A_357 = arith.mulf %div3A_355, %div3A_339 : vector<1024x1xf32>
    %sub3A_358 = arith.subf %mul3A_356, %mul3A_357 : vector<1024x1xf32>
    %mul3A_359 = arith.mulf %div3A_355, %div3A_338 : vector<1024x1xf32>
    %mul3A_360 = arith.mulf %div3A_353, %div3A_340 : vector<1024x1xf32>
    %sub3A_361 = arith.subf %mul3A_359, %mul3A_360 : vector<1024x1xf32>
    %mul3A_362 = arith.mulf %div3A_353, %div3A_339 : vector<1024x1xf32>
    %mul3A_363 = arith.mulf %div3A_354, %div3A_338 : vector<1024x1xf32>
    %sub3A_364 = arith.subf %mul3A_362, %mul3A_363 : vector<1024x1xf32>
    %mul3A_365 = arith.mulf %sub3A_358, %sub3A_358 : vector<1024x1xf32>
    %mul3A_366 = arith.mulf %sub3A_361, %sub3A_361 : vector<1024x1xf32>
    %add3A_367 = arith.addf %mul3A_365, %mul3A_366 : vector<1024x1xf32>
    %mul3A_368 = arith.mulf %sub3A_364, %sub3A_364 : vector<1024x1xf32>
    %add3A_369 = arith.addf %add3A_367, %mul3A_368 : vector<1024x1xf32>
    %sqrt3A_370 = math.sqrt %add3A_369 : vector<1024x1xf32>
    %max3A_371 = arith.constant 9.99999996E-13 : f32
    %max3A_372 = vector.broadcast %max3A_371 : f32 to vector<1024x1xf32>
    %max3A_373 = arith.maximumf %sqrt3A_370, %max3A_372 : vector<1024x1xf32>
    %div3A_374 = arith.divf %sub3A_358, %max3A_373 : vector<1024x1xf32>
    %div3A_375 = arith.divf %sub3A_361, %max3A_373 : vector<1024x1xf32>
    %div3A_376 = arith.divf %sub3A_364, %max3A_373 : vector<1024x1xf32>
    %concatenate3A_377 = tpu.concatenate %div3A_353, %div3A_354, %div3A_355, %div3A_338, %div3A_339, %div3A_340, %div3A_374, %div3A_375, %div3A_376 in 1 : vector<1024x1xf32>, vector<1024x1xf32>, vector<1024x1xf32>, vector<1024x1xf32>, vector<1024x1xf32>, vector<1024x1xf32>, vector<1024x1xf32>, vector<1024x1xf32>, vector<1024x1xf32> -> vector<1024x9xf32>
    %swap3A = arith.constant 0 : index
    %swap3A_378 = arith.constant 0 : index
    %swap3A_379 = arith.constant 0 : index
    %swap3A_380 = vector.load %arg9[%swap3A, %swap3A_378, %swap3A_379] : memref<1x1024x9xf32, #tpu.memory_space<vmem>>, vector<1x1024x9xf32>
    %swap3A_381 = vector.shape_cast %swap3A_380 : vector<1x1024x9xf32> to vector<1024x9xf32>
    %swap3A_382 = vector.shape_cast %concatenate3A_377 : vector<1024x9xf32> to vector<1x1024x9xf32>
    tpu.vector_store %arg9[%swap3A, %swap3A_378, %swap3A_379], %swap3A_382 {strides = array<i32>} : memref<1x1024x9xf32, #tpu.memory_space<vmem>>, vector<1x1024x9xf32>,
    %get3A_383 = arith.constant 0 : index
    %get3A_384 = arith.constant 0 : index
    %get3A_385 = vector.load %arg4[%get3A_383, %get3A_384] : memref<6x256xf32, #tpu.memory_space<vmem>>, vector<6x256xf32>
    %dot_general3A = arith.constant dense<0.000000e+00> : vector<1024x256xf32>
    %dot_general3A_386 = tpu.matmul %concatenate3A_289, %get3A_385, %dot_general3A {dimension_numbers = #tpu.dot_dimension_numbers<[1], [0], [0], [1], [0, 0, 1, 1], [], []>, transpose_lhs_hint = false} : vector<1024x6xf32>, vector<6x256xf32>, vector<1024x256xf32> -> vector<1024x256xf32>
    %get3A_387 = arith.constant 0 : index
    %get3A_388 = arith.constant 0 : index
    %get3A_389 = vector.load %arg5[%get3A_387, %get3A_388] : memref<1x256xf32, #tpu.memory_space<vmem>>, vector<1x256xf32>
    %add3A_390 = vector.broadcast %get3A_389 : vector<1x256xf32> to vector<1024x256xf32>
    %add3A_391 = arith.addf %dot_general3A_386, %add3A_390 : vector<1024x256xf32>
    %reduce_sum3A = arith.constant dense<0.000000e+00> : vector<1024xf32>
    %reduce_sum3A_392 = vector.multi_reduction <add>, %add3A_391, %reduce_sum3A [1] : vector<1024x256xf32> to vector<1024xf32>
    %broadcast_in_dim3A_393 = vector.shape_cast %reduce_sum3A_392 : vector<1024xf32> to vector<1024x1xf32>
    %div3A_394 = arith.constant 2.560000e+02 : f32
    %div3A_395 = vector.broadcast %div3A_394 : f32 to vector<1024x1xf32>
    %div3A_396 = arith.divf %broadcast_in_dim3A_393, %div3A_395 : vector<1024x1xf32>
    %sub3A_397 = vector.broadcast %div3A_396 : vector<1024x1xf32> to vector<1024x256xf32>
    %sub3A_398 = arith.subf %add3A_391, %sub3A_397 : vector<1024x256xf32>
    %integer_pow3A = arith.mulf %sub3A_398, %sub3A_398 : vector<1024x256xf32>
    %reduce_sum3A_399 = arith.constant dense<0.000000e+00> : vector<1024xf32>
    %reduce_sum3A_400 = vector.multi_reduction <add>, %integer_pow3A, %reduce_sum3A_399 [1] : vector<1024x256xf32> to vector<1024xf32>
    %broadcast_in_dim3A_401 = vector.shape_cast %reduce_sum3A_400 : vector<1024xf32> to vector<1024x1xf32>
    %div3A_402 = arith.constant 2.560000e+02 : f32
    %div3A_403 = vector.broadcast %div3A_402 : f32 to vector<1024x1xf32>
    %div3A_404 = arith.divf %broadcast_in_dim3A_401, %div3A_403 : vector<1024x1xf32>
    %sub3A_405 = vector.broadcast %div3A_396 : vector<1024x1xf32> to vector<1024x256xf32>
    %sub3A_406 = arith.subf %add3A_391, %sub3A_405 : vector<1024x256xf32>
    %add3A_407 = arith.constant 9.99999974E-6 : f32
    %add3A_408 = vector.broadcast %add3A_407 : f32 to vector<1024x1xf32>
    %add3A_409 = arith.addf %div3A_404, %add3A_408 : vector<1024x1xf32>
    %sqrt3A_410 = math.sqrt %add3A_409 : vector<1024x1xf32>
    %div3A_411 = vector.broadcast %sqrt3A_410 : vector<1024x1xf32> to vector<1024x256xf32>
    %div3A_412 = arith.divf %sub3A_406, %div3A_411 : vector<1024x256xf32>
    %get3A_413 = arith.constant 0 : index
    %get3A_414 = arith.constant 0 : index
    %get3A_415 = vector.load %arg6[%get3A_413, %get3A_414] : memref<1x256xf32, #tpu.memory_space<vmem>>, vector<1x256xf32>
    %mul3A_416 = vector.broadcast %get3A_415 : vector<1x256xf32> to vector<1024x256xf32>
    %mul3A_417 = arith.mulf %div3A_412, %mul3A_416 : vector<1024x256xf32>
    %get3A_418 = arith.constant 0 : index
    %get3A_419 = arith.constant 0 : index
    %get3A_420 = vector.load %arg7[%get3A_418, %get3A_419] : memref<1x256xf32, #tpu.memory_space<vmem>>, vector<1x256xf32>
    %add3A_421 = vector.broadcast %get3A_420 : vector<1x256xf32> to vector<1024x256xf32>
    %add3A_422 = arith.addf %mul3A_417, %add3A_421 : vector<1024x256xf32>
    %swap3A_423 = arith.constant 0 : index
    %swap3A_424 = arith.constant 0 : index
    %swap3A_425 = arith.constant 0 : index
    %swap3A_426 = vector.load %arg8[%swap3A_423, %swap3A_424, %swap3A_425] : memref<1x1024x256xf32, #tpu.memory_space<vmem>>, vector<1x1024x256xf32>
    %swap3A_427 = vector.shape_cast %swap3A_426 : vector<1x1024x256xf32> to vector<1024x256xf32>
    %swap3A_428 = vector.shape_cast %add3A_422 : vector<1024x256xf32> to vector<1x1024x256xf32>
    tpu.vector_store %arg8[%swap3A_423, %swap3A_424, %swap3A_425], %swap3A_428 {strides = array<i32>} : memref<1x1024x256xf32, #tpu.memory_space<vmem>>, vector<1x1024x256xf32>,
    return
  }
  func.func @transform_0(%arg0: i32) -> (i32, i32, i32) {
    %c0_i32 = arith.constant 0 : i32
    %c0_i32_0 = arith.constant 0 : i32
    %c0_i32_1 = arith.constant 0 : i32
    return %arg0, %c0_i32, %c0_i32_0 : i32, i32, i32
  }
  func.func @transform_1(%arg0: i32) -> (i32, i32, i32) {
    %c0_i32 = arith.constant 0 : i32
    %c0_i32_0 = arith.constant 0 : i32
    %c0_i32_1 = arith.constant 0 : i32
    return %arg0, %c0_i32, %c0_i32_0 : i32, i32, i32
  }
  func.func @transform_2(%arg0: i32) -> (i32, i32, i32) {
    %c0_i32 = arith.constant 0 : i32
    %c0_i32_0 = arith.constant 0 : i32
    %c0_i32_1 = arith.constant 0 : i32
    return %arg0, %c0_i32, %c0_i32_0 : i32, i32, i32
  }
  func.func @transform_3(%arg0: i32) -> (i32, i32) {
    %c0_i32 = arith.constant 0 : i32
    %c0_i32_0 = arith.constant 0 : i32
    %c0_i32_1 = arith.constant 0 : i32
    return %c0_i32, %c0_i32_0 : i32, i32
  }
  func.func @transform_4(%arg0: i32) -> (i32, i32) {
    %c0_i32 = arith.constant 0 : i32
    %c0_i32_0 = arith.constant 0 : i32
    %c0_i32_1 = arith.constant 0 : i32
    return %c0_i32, %c0_i32_0 : i32, i32
  }
  func.func @transform_5(%arg0: i32) -> (i32, i32) {
    %c0_i32 = arith.constant 0 : i32
    %c0_i32_0 = arith.constant 0 : i32
    %c0_i32_1 = arith.constant 0 : i32
    return %c0_i32, %c0_i32_0 : i32, i32
  }
  func.func @transform_6(%arg0: i32) -> (i32, i32) {
    %c0_i32 = arith.constant 0 : i32
    %c0_i32_0 = arith.constant 0 : i32
    %c0_i32_1 = arith.constant 0 : i32
    return %c0_i32, %c0_i32_0 : i32, i32
  }
  func.func @transform_7(%arg0: i32) -> (i32, i32, i32) {
    %c0_i32 = arith.constant 0 : i32
    %c0_i32_0 = arith.constant 0 : i32
    %c0_i32_1 = arith.constant 0 : i32
    return %arg0, %c0_i32, %c0_i32_0 : i32, i32, i32
  }
  func.func @transform_8(%arg0: i32) -> (i32, i32, i32) {
    %c0_i32 = arith.constant 0 : i32
    %c0_i32_0 = arith.constant 0 : i32
    %c0_i32_1 = arith.constant 0 : i32
    return %arg0, %c0_i32, %c0_i32_0 : i32, i32, i32
  }
}

module attributes {stable_mosaic.version = 14 : i64} {
  func.func @_edge_kernel(%arg0: i32, %arg1: i32, %arg2: memref<1x1x1920xf32, #tpu.memory_space<vmem>>, %arg3: memref<1x1x1920xi32, #tpu.memory_space<vmem>>, %arg4: memref<1x1x1920xf32, #tpu.memory_space<vmem>>, %arg5: memref<1x9x1024xf32, #tpu.memory_space<vmem>>, %arg6: memref<1x3x1024xf32, #tpu.memory_space<vmem>>, %arg7: memref<1x9x1920xf32, #tpu.memory_space<vmem>>, %arg8: memref<1x3x1920xf32, #tpu.memory_space<vmem>>, %arg9: memref<256x39xf32, #tpu.memory_space<vmem>>, %arg10: memref<256x1xf32, #tpu.memory_space<vmem>>, %arg11: memref<256x1xf32, #tpu.memory_space<vmem>>, %arg12: memref<256x1xf32, #tpu.memory_space<vmem>>, %arg13: memref<1x256x1920xf32, #tpu.memory_space<vmem>>) attributes {dimension_semantics = [#tpu.dimension_semantics<arbitrary>, #tpu.dimension_semantics<arbitrary>], iteration_bounds = array<i64: 8, 16>, scalar_prefetch = 0 : i64, scratch_operands = 0 : i64, tpu.core_type = #tpu.core_type<tc>, window_params = [{transform_indices = @transform_0, window_bounds = array<i64: 1, 1, 1920>}, {transform_indices = @transform_1, window_bounds = array<i64: 1, 1, 1920>}, {transform_indices = @transform_2, window_bounds = array<i64: 1, 1, 1920>}, {transform_indices = @transform_3, window_bounds = array<i64: 1, 9, 1024>}, {transform_indices = @transform_4, window_bounds = array<i64: 1, 3, 1024>}, {transform_indices = @transform_5, window_bounds = array<i64: 1, 9, 1920>}, {transform_indices = @transform_6, window_bounds = array<i64: 1, 3, 1920>}, {pipeline_mode = #tpu.pipeline_mode<synchronous>, transform_indices = @transform_7, window_bounds = array<i64: 256, 39>}, {pipeline_mode = #tpu.pipeline_mode<synchronous>, transform_indices = @transform_8, window_bounds = array<i64: 256, 1>}, {pipeline_mode = #tpu.pipeline_mode<synchronous>, transform_indices = @transform_9, window_bounds = array<i64: 256, 1>}, {pipeline_mode = #tpu.pipeline_mode<synchronous>, transform_indices = @transform_10, window_bounds = array<i64: 256, 1>}, {transform_indices = @transform_11, window_bounds = array<i64: 1, 256, 1920>}]} {
    %get3A = arith.constant 0 : index
    %get3A_0 = arith.constant 0 : index
    %get3A_1 = arith.constant 0 : index
    %get3A_2 = vector.load %arg3[%get3A, %get3A_0, %get3A_1] : memref<1x1x1920xi32, #tpu.memory_space<vmem>>, vector<1x1x1920xi32>
    %get3A_3 = vector.shape_cast %get3A_2 : vector<1x1x1920xi32> to vector<1x1920xi32>
    %get3A_4 = arith.constant 0 : index
    %get3A_5 = arith.constant 0 : index
    %get3A_6 = arith.constant 0 : index
    %get3A_7 = vector.load %arg5[%get3A_4, %get3A_5, %get3A_6] : memref<1x9x1024xf32, #tpu.memory_space<vmem>>, vector<1x9x1024xf32>
    %get3A_8 = vector.shape_cast %get3A_7 : vector<1x9x1024xf32> to vector<9x1024xf32>
    %get3A_9 = arith.constant 0 : index
    %get3A_10 = arith.constant 0 : index
    %get3A_11 = arith.constant 0 : index
    %get3A_12 = vector.load %arg6[%get3A_9, %get3A_10, %get3A_11] : memref<1x3x1024xf32, #tpu.memory_space<vmem>>, vector<1x3x1024xf32>
    %get3A_13 = vector.shape_cast %get3A_12 : vector<1x3x1024xf32> to vector<3x1024xf32>
    %concatenate3A = tpu.concatenate %get3A_8, %get3A_13 in 0 : vector<9x1024xf32>, vector<3x1024xf32> -> vector<12x1024xf32>
    %iota3A = tpu.iota {dimensions = array<i32: 0>} : vector<1024x1920xi32>
    %eq3A = vector.broadcast %get3A_3 : vector<1x1920xi32> to vector<1024x1920xi32>
    %eq3A_14 = arith.cmpi eq, %iota3A, %eq3A : vector<1024x1920xi32>
    %convert_element_type3A = arith.extui %eq3A_14 : vector<1024x1920xi1> to vector<1024x1920xi32>
    %convert_element_type3A_15 = arith.sitofp %convert_element_type3A : vector<1024x1920xi32> to vector<1024x1920xf32>
    %dot_general3A = arith.constant dense<0.000000e+00> : vector<12x1920xf32>
    %dot_general3A_16 = tpu.matmul %concatenate3A, %convert_element_type3A_15, %dot_general3A {dimension_numbers = #tpu.dot_dimension_numbers<[1], [0], [0], [1], [0, 0, 1, 1], [], []>, precision = #tpu.contract_precision<fp32>, transpose_lhs_hint = false} : vector<12x1024xf32>, vector<1024x1920xf32>, vector<12x1920xf32> -> vector<12x1920xf32>
    %slice3A = vector.extract_strided_slice %dot_general3A_16 {offsets = [0, 0], sizes = [1, 1920], strides = [1, 1]} : vector<12x1920xf32> to vector<1x1920xf32>
    %slice3A_17 = vector.extract_strided_slice %dot_general3A_16 {offsets = [1, 0], sizes = [1, 1920], strides = [1, 1]} : vector<12x1920xf32> to vector<1x1920xf32>
    %slice3A_18 = vector.extract_strided_slice %dot_general3A_16 {offsets = [2, 0], sizes = [1, 1920], strides = [1, 1]} : vector<12x1920xf32> to vector<1x1920xf32>
    %slice3A_19 = vector.extract_strided_slice %dot_general3A_16 {offsets = [3, 0], sizes = [1, 1920], strides = [1, 1]} : vector<12x1920xf32> to vector<1x1920xf32>
    %slice3A_20 = vector.extract_strided_slice %dot_general3A_16 {offsets = [4, 0], sizes = [1, 1920], strides = [1, 1]} : vector<12x1920xf32> to vector<1x1920xf32>
    %slice3A_21 = vector.extract_strided_slice %dot_general3A_16 {offsets = [5, 0], sizes = [1, 1920], strides = [1, 1]} : vector<12x1920xf32> to vector<1x1920xf32>
    %slice3A_22 = vector.extract_strided_slice %dot_general3A_16 {offsets = [6, 0], sizes = [1, 1920], strides = [1, 1]} : vector<12x1920xf32> to vector<1x1920xf32>
    %slice3A_23 = vector.extract_strided_slice %dot_general3A_16 {offsets = [7, 0], sizes = [1, 1920], strides = [1, 1]} : vector<12x1920xf32> to vector<1x1920xf32>
    %slice3A_24 = vector.extract_strided_slice %dot_general3A_16 {offsets = [8, 0], sizes = [1, 1920], strides = [1, 1]} : vector<12x1920xf32> to vector<1x1920xf32>
    %slice3A_25 = vector.extract_strided_slice %dot_general3A_16 {offsets = [9, 0], sizes = [1, 1920], strides = [1, 1]} : vector<12x1920xf32> to vector<1x1920xf32>
    %slice3A_26 = vector.extract_strided_slice %dot_general3A_16 {offsets = [10, 0], sizes = [1, 1920], strides = [1, 1]} : vector<12x1920xf32> to vector<1x1920xf32>
    %slice3A_27 = vector.extract_strided_slice %dot_general3A_16 {offsets = [11, 0], sizes = [1, 1920], strides = [1, 1]} : vector<12x1920xf32> to vector<1x1920xf32>
    %get3A_28 = arith.constant 0 : index
    %get3A_29 = arith.constant 0 : index
    %get3A_30 = arith.constant 0 : index
    %get3A_31 = vector.load %arg7[%get3A_28, %get3A_29, %get3A_30] : memref<1x9x1920xf32, #tpu.memory_space<vmem>>, vector<1x9x1920xf32>
    %get3A_32 = vector.shape_cast %get3A_31 : vector<1x9x1920xf32> to vector<9x1920xf32>
    %get3A_33 = arith.constant 0 : index
    %get3A_34 = arith.constant 0 : index
    %get3A_35 = arith.constant 0 : index
    %get3A_36 = vector.load %arg8[%get3A_33, %get3A_34, %get3A_35] : memref<1x3x1920xf32, #tpu.memory_space<vmem>>, vector<1x3x1920xf32>
    %get3A_37 = vector.shape_cast %get3A_36 : vector<1x3x1920xf32> to vector<3x1920xf32>
    %slice3A_38 = vector.extract_strided_slice %get3A_37 {offsets = [0, 0], sizes = [1, 1920], strides = [1, 1]} : vector<3x1920xf32> to vector<1x1920xf32>
    %sub3A = arith.subf %slice3A_25, %slice3A_38 : vector<1x1920xf32>
    %slice3A_39 = vector.extract_strided_slice %get3A_37 {offsets = [1, 0], sizes = [1, 1920], strides = [1, 1]} : vector<3x1920xf32> to vector<1x1920xf32>
    %sub3A_40 = arith.subf %slice3A_26, %slice3A_39 : vector<1x1920xf32>
    %slice3A_41 = vector.extract_strided_slice %get3A_37 {offsets = [2, 0], sizes = [1, 1920], strides = [1, 1]} : vector<3x1920xf32> to vector<1x1920xf32>
    %sub3A_42 = arith.subf %slice3A_27, %slice3A_41 : vector<1x1920xf32>
    %convert_element_type3A_43 = arith.truncf %get3A_32 : vector<9x1920xf32> to vector<9x1920xbf16>
    %convert_element_type3A_44 = arith.extf %convert_element_type3A_43 : vector<9x1920xbf16> to vector<9x1920xf32>
    %convert_element_type3A_45 = arith.truncf %slice3A : vector<1x1920xf32> to vector<1x1920xbf16>
    %convert_element_type3A_46 = arith.extf %convert_element_type3A_45 : vector<1x1920xbf16> to vector<1x1920xf32>
    %convert_element_type3A_47 = arith.truncf %slice3A_17 : vector<1x1920xf32> to vector<1x1920xbf16>
    %convert_element_type3A_48 = arith.extf %convert_element_type3A_47 : vector<1x1920xbf16> to vector<1x1920xf32>
    %convert_element_type3A_49 = arith.truncf %slice3A_18 : vector<1x1920xf32> to vector<1x1920xbf16>
    %convert_element_type3A_50 = arith.extf %convert_element_type3A_49 : vector<1x1920xbf16> to vector<1x1920xf32>
    %convert_element_type3A_51 = arith.truncf %slice3A_19 : vector<1x1920xf32> to vector<1x1920xbf16>
    %convert_element_type3A_52 = arith.extf %convert_element_type3A_51 : vector<1x1920xbf16> to vector<1x1920xf32>
    %convert_element_type3A_53 = arith.truncf %slice3A_20 : vector<1x1920xf32> to vector<1x1920xbf16>
    %convert_element_type3A_54 = arith.extf %convert_element_type3A_53 : vector<1x1920xbf16> to vector<1x1920xf32>
    %convert_element_type3A_55 = arith.truncf %slice3A_21 : vector<1x1920xf32> to vector<1x1920xbf16>
    %convert_element_type3A_56 = arith.extf %convert_element_type3A_55 : vector<1x1920xbf16> to vector<1x1920xf32>
    %convert_element_type3A_57 = arith.truncf %slice3A_22 : vector<1x1920xf32> to vector<1x1920xbf16>
    %convert_element_type3A_58 = arith.extf %convert_element_type3A_57 : vector<1x1920xbf16> to vector<1x1920xf32>
    %convert_element_type3A_59 = arith.truncf %slice3A_23 : vector<1x1920xf32> to vector<1x1920xbf16>
    %convert_element_type3A_60 = arith.extf %convert_element_type3A_59 : vector<1x1920xbf16> to vector<1x1920xf32>
    %convert_element_type3A_61 = arith.truncf %slice3A_24 : vector<1x1920xf32> to vector<1x1920xbf16>
    %convert_element_type3A_62 = arith.extf %convert_element_type3A_61 : vector<1x1920xbf16> to vector<1x1920xf32>
    %convert_element_type3A_63 = arith.truncf %sub3A : vector<1x1920xf32> to vector<1x1920xbf16>
    %convert_element_type3A_64 = arith.extf %convert_element_type3A_63 : vector<1x1920xbf16> to vector<1x1920xf32>
    %convert_element_type3A_65 = arith.truncf %sub3A_40 : vector<1x1920xf32> to vector<1x1920xbf16>
    %convert_element_type3A_66 = arith.extf %convert_element_type3A_65 : vector<1x1920xbf16> to vector<1x1920xf32>
    %convert_element_type3A_67 = arith.truncf %sub3A_42 : vector<1x1920xf32> to vector<1x1920xbf16>
    %convert_element_type3A_68 = arith.extf %convert_element_type3A_67 : vector<1x1920xbf16> to vector<1x1920xf32>
    %slice3A_69 = vector.extract_strided_slice %convert_element_type3A_44 {offsets = [0, 0], sizes = [1, 1920], strides = [1, 1]} : vector<9x1920xf32> to vector<1x1920xf32>
    %mul3A = arith.mulf %slice3A_69, %convert_element_type3A_64 : vector<1x1920xf32>
    %slice3A_70 = vector.extract_strided_slice %convert_element_type3A_44 {offsets = [1, 0], sizes = [1, 1920], strides = [1, 1]} : vector<9x1920xf32> to vector<1x1920xf32>
    %mul3A_71 = arith.mulf %slice3A_70, %convert_element_type3A_66 : vector<1x1920xf32>
    %add3A = arith.addf %mul3A, %mul3A_71 : vector<1x1920xf32>
    %slice3A_72 = vector.extract_strided_slice %convert_element_type3A_44 {offsets = [2, 0], sizes = [1, 1920], strides = [1, 1]} : vector<9x1920xf32> to vector<1x1920xf32>
    %mul3A_73 = arith.mulf %slice3A_72, %convert_element_type3A_68 : vector<1x1920xf32>
    %add3A_74 = arith.addf %add3A, %mul3A_73 : vector<1x1920xf32>
    %slice3A_75 = vector.extract_strided_slice %convert_element_type3A_44 {offsets = [3, 0], sizes = [1, 1920], strides = [1, 1]} : vector<9x1920xf32> to vector<1x1920xf32>
    %mul3A_76 = arith.mulf %slice3A_75, %convert_element_type3A_64 : vector<1x1920xf32>
    %slice3A_77 = vector.extract_strided_slice %convert_element_type3A_44 {offsets = [4, 0], sizes = [1, 1920], strides = [1, 1]} : vector<9x1920xf32> to vector<1x1920xf32>
    %mul3A_78 = arith.mulf %slice3A_77, %convert_element_type3A_66 : vector<1x1920xf32>
    %add3A_79 = arith.addf %mul3A_76, %mul3A_78 : vector<1x1920xf32>
    %slice3A_80 = vector.extract_strided_slice %convert_element_type3A_44 {offsets = [5, 0], sizes = [1, 1920], strides = [1, 1]} : vector<9x1920xf32> to vector<1x1920xf32>
    %mul3A_81 = arith.mulf %slice3A_80, %convert_element_type3A_68 : vector<1x1920xf32>
    %add3A_82 = arith.addf %add3A_79, %mul3A_81 : vector<1x1920xf32>
    %slice3A_83 = vector.extract_strided_slice %convert_element_type3A_44 {offsets = [6, 0], sizes = [1, 1920], strides = [1, 1]} : vector<9x1920xf32> to vector<1x1920xf32>
    %mul3A_84 = arith.mulf %slice3A_83, %convert_element_type3A_64 : vector<1x1920xf32>
    %slice3A_85 = vector.extract_strided_slice %convert_element_type3A_44 {offsets = [7, 0], sizes = [1, 1920], strides = [1, 1]} : vector<9x1920xf32> to vector<1x1920xf32>
    %mul3A_86 = arith.mulf %slice3A_85, %convert_element_type3A_66 : vector<1x1920xf32>
    %add3A_87 = arith.addf %mul3A_84, %mul3A_86 : vector<1x1920xf32>
    %slice3A_88 = vector.extract_strided_slice %convert_element_type3A_44 {offsets = [8, 0], sizes = [1, 1920], strides = [1, 1]} : vector<9x1920xf32> to vector<1x1920xf32>
    %mul3A_89 = arith.mulf %slice3A_88, %convert_element_type3A_68 : vector<1x1920xf32>
    %add3A_90 = arith.addf %add3A_87, %mul3A_89 : vector<1x1920xf32>
    %integer_pow3A = arith.mulf %add3A_74, %add3A_74 : vector<1x1920xf32>
    %integer_pow3A_91 = arith.mulf %add3A_82, %add3A_82 : vector<1x1920xf32>
    %add3A_92 = arith.addf %integer_pow3A, %integer_pow3A_91 : vector<1x1920xf32>
    %integer_pow3A_93 = arith.mulf %add3A_90, %add3A_90 : vector<1x1920xf32>
    %add3A_94 = arith.addf %add3A_92, %integer_pow3A_93 : vector<1x1920xf32>
    %sqrt3A = math.sqrt %add3A_94 : vector<1x1920xf32>
    %max3A = arith.constant 9.99999996E-13 : f32
    %max3A_95 = vector.broadcast %max3A : f32 to vector<1x1920xf32>
    %max3A_96 = arith.maximumf %sqrt3A, %max3A_95 : vector<1x1920xf32>
    %div3A = arith.divf %add3A_74, %max3A_96 : vector<1x1920xf32>
    %div3A_97 = arith.divf %add3A_82, %max3A_96 : vector<1x1920xf32>
    %div3A_98 = arith.divf %add3A_90, %max3A_96 : vector<1x1920xf32>
    %slice3A_99 = vector.extract_strided_slice %convert_element_type3A_44 {offsets = [0, 0], sizes = [1, 1920], strides = [1, 1]} : vector<9x1920xf32> to vector<1x1920xf32>
    %mul3A_100 = arith.mulf %slice3A_99, %convert_element_type3A_46 : vector<1x1920xf32>
    %slice3A_101 = vector.extract_strided_slice %convert_element_type3A_44 {offsets = [3, 0], sizes = [1, 1920], strides = [1, 1]} : vector<9x1920xf32> to vector<1x1920xf32>
    %mul3A_102 = arith.mulf %slice3A_101, %convert_element_type3A_52 : vector<1x1920xf32>
    %add3A_103 = arith.addf %mul3A_100, %mul3A_102 : vector<1x1920xf32>
    %slice3A_104 = vector.extract_strided_slice %convert_element_type3A_44 {offsets = [6, 0], sizes = [1, 1920], strides = [1, 1]} : vector<9x1920xf32> to vector<1x1920xf32>
    %mul3A_105 = arith.mulf %slice3A_104, %convert_element_type3A_58 : vector<1x1920xf32>
    %add3A_106 = arith.addf %add3A_103, %mul3A_105 : vector<1x1920xf32>
    %slice3A_107 = vector.extract_strided_slice %convert_element_type3A_44 {offsets = [0, 0], sizes = [1, 1920], strides = [1, 1]} : vector<9x1920xf32> to vector<1x1920xf32>
    %mul3A_108 = arith.mulf %slice3A_107, %convert_element_type3A_48 : vector<1x1920xf32>
    %slice3A_109 = vector.extract_strided_slice %convert_element_type3A_44 {offsets = [3, 0], sizes = [1, 1920], strides = [1, 1]} : vector<9x1920xf32> to vector<1x1920xf32>
    %mul3A_110 = arith.mulf %slice3A_109, %convert_element_type3A_54 : vector<1x1920xf32>
    %add3A_111 = arith.addf %mul3A_108, %mul3A_110 : vector<1x1920xf32>
    %slice3A_112 = vector.extract_strided_slice %convert_element_type3A_44 {offsets = [6, 0], sizes = [1, 1920], strides = [1, 1]} : vector<9x1920xf32> to vector<1x1920xf32>
    %mul3A_113 = arith.mulf %slice3A_112, %convert_element_type3A_60 : vector<1x1920xf32>
    %add3A_114 = arith.addf %add3A_111, %mul3A_113 : vector<1x1920xf32>
    %slice3A_115 = vector.extract_strided_slice %convert_element_type3A_44 {offsets = [0, 0], sizes = [1, 1920], strides = [1, 1]} : vector<9x1920xf32> to vector<1x1920xf32>
    %mul3A_116 = arith.mulf %slice3A_115, %convert_element_type3A_50 : vector<1x1920xf32>
    %slice3A_117 = vector.extract_strided_slice %convert_element_type3A_44 {offsets = [3, 0], sizes = [1, 1920], strides = [1, 1]} : vector<9x1920xf32> to vector<1x1920xf32>
    %mul3A_118 = arith.mulf %slice3A_117, %convert_element_type3A_56 : vector<1x1920xf32>
    %add3A_119 = arith.addf %mul3A_116, %mul3A_118 : vector<1x1920xf32>
    %slice3A_120 = vector.extract_strided_slice %convert_element_type3A_44 {offsets = [6, 0], sizes = [1, 1920], strides = [1, 1]} : vector<9x1920xf32> to vector<1x1920xf32>
    %mul3A_121 = arith.mulf %slice3A_120, %convert_element_type3A_62 : vector<1x1920xf32>
    %add3A_122 = arith.addf %add3A_119, %mul3A_121 : vector<1x1920xf32>
    %slice3A_123 = vector.extract_strided_slice %convert_element_type3A_44 {offsets = [1, 0], sizes = [1, 1920], strides = [1, 1]} : vector<9x1920xf32> to vector<1x1920xf32>
    %mul3A_124 = arith.mulf %slice3A_123, %convert_element_type3A_46 : vector<1x1920xf32>
    %slice3A_125 = vector.extract_strided_slice %convert_element_type3A_44 {offsets = [4, 0], sizes = [1, 1920], strides = [1, 1]} : vector<9x1920xf32> to vector<1x1920xf32>
    %mul3A_126 = arith.mulf %slice3A_125, %convert_element_type3A_52 : vector<1x1920xf32>
    %add3A_127 = arith.addf %mul3A_124, %mul3A_126 : vector<1x1920xf32>
    %slice3A_128 = vector.extract_strided_slice %convert_element_type3A_44 {offsets = [7, 0], sizes = [1, 1920], strides = [1, 1]} : vector<9x1920xf32> to vector<1x1920xf32>
    %mul3A_129 = arith.mulf %slice3A_128, %convert_element_type3A_58 : vector<1x1920xf32>
    %add3A_130 = arith.addf %add3A_127, %mul3A_129 : vector<1x1920xf32>
    %slice3A_131 = vector.extract_strided_slice %convert_element_type3A_44 {offsets = [1, 0], sizes = [1, 1920], strides = [1, 1]} : vector<9x1920xf32> to vector<1x1920xf32>
    %mul3A_132 = arith.mulf %slice3A_131, %convert_element_type3A_48 : vector<1x1920xf32>
    %slice3A_133 = vector.extract_strided_slice %convert_element_type3A_44 {offsets = [4, 0], sizes = [1, 1920], strides = [1, 1]} : vector<9x1920xf32> to vector<1x1920xf32>
    %mul3A_134 = arith.mulf %slice3A_133, %convert_element_type3A_54 : vector<1x1920xf32>
    %add3A_135 = arith.addf %mul3A_132, %mul3A_134 : vector<1x1920xf32>
    %slice3A_136 = vector.extract_strided_slice %convert_element_type3A_44 {offsets = [7, 0], sizes = [1, 1920], strides = [1, 1]} : vector<9x1920xf32> to vector<1x1920xf32>
    %mul3A_137 = arith.mulf %slice3A_136, %convert_element_type3A_60 : vector<1x1920xf32>
    %add3A_138 = arith.addf %add3A_135, %mul3A_137 : vector<1x1920xf32>
    %slice3A_139 = vector.extract_strided_slice %convert_element_type3A_44 {offsets = [1, 0], sizes = [1, 1920], strides = [1, 1]} : vector<9x1920xf32> to vector<1x1920xf32>
    %mul3A_140 = arith.mulf %slice3A_139, %convert_element_type3A_50 : vector<1x1920xf32>
    %slice3A_141 = vector.extract_strided_slice %convert_element_type3A_44 {offsets = [4, 0], sizes = [1, 1920], strides = [1, 1]} : vector<9x1920xf32> to vector<1x1920xf32>
    %mul3A_142 = arith.mulf %slice3A_141, %convert_element_type3A_56 : vector<1x1920xf32>
    %add3A_143 = arith.addf %mul3A_140, %mul3A_142 : vector<1x1920xf32>
    %slice3A_144 = vector.extract_strided_slice %convert_element_type3A_44 {offsets = [7, 0], sizes = [1, 1920], strides = [1, 1]} : vector<9x1920xf32> to vector<1x1920xf32>
    %mul3A_145 = arith.mulf %slice3A_144, %convert_element_type3A_62 : vector<1x1920xf32>
    %add3A_146 = arith.addf %add3A_143, %mul3A_145 : vector<1x1920xf32>
    %slice3A_147 = vector.extract_strided_slice %convert_element_type3A_44 {offsets = [2, 0], sizes = [1, 1920], strides = [1, 1]} : vector<9x1920xf32> to vector<1x1920xf32>
    %mul3A_148 = arith.mulf %slice3A_147, %convert_element_type3A_46 : vector<1x1920xf32>
    %slice3A_149 = vector.extract_strided_slice %convert_element_type3A_44 {offsets = [5, 0], sizes = [1, 1920], strides = [1, 1]} : vector<9x1920xf32> to vector<1x1920xf32>
    %mul3A_150 = arith.mulf %slice3A_149, %convert_element_type3A_52 : vector<1x1920xf32>
    %add3A_151 = arith.addf %mul3A_148, %mul3A_150 : vector<1x1920xf32>
    %slice3A_152 = vector.extract_strided_slice %convert_element_type3A_44 {offsets = [8, 0], sizes = [1, 1920], strides = [1, 1]} : vector<9x1920xf32> to vector<1x1920xf32>
    %mul3A_153 = arith.mulf %slice3A_152, %convert_element_type3A_58 : vector<1x1920xf32>
    %add3A_154 = arith.addf %add3A_151, %mul3A_153 : vector<1x1920xf32>
    %slice3A_155 = vector.extract_strided_slice %convert_element_type3A_44 {offsets = [2, 0], sizes = [1, 1920], strides = [1, 1]} : vector<9x1920xf32> to vector<1x1920xf32>
    %mul3A_156 = arith.mulf %slice3A_155, %convert_element_type3A_48 : vector<1x1920xf32>
    %slice3A_157 = vector.extract_strided_slice %convert_element_type3A_44 {offsets = [5, 0], sizes = [1, 1920], strides = [1, 1]} : vector<9x1920xf32> to vector<1x1920xf32>
    %mul3A_158 = arith.mulf %slice3A_157, %convert_element_type3A_54 : vector<1x1920xf32>
    %add3A_159 = arith.addf %mul3A_156, %mul3A_158 : vector<1x1920xf32>
    %slice3A_160 = vector.extract_strided_slice %convert_element_type3A_44 {offsets = [8, 0], sizes = [1, 1920], strides = [1, 1]} : vector<9x1920xf32> to vector<1x1920xf32>
    %mul3A_161 = arith.mulf %slice3A_160, %convert_element_type3A_60 : vector<1x1920xf32>
    %add3A_162 = arith.addf %add3A_159, %mul3A_161 : vector<1x1920xf32>
    %slice3A_163 = vector.extract_strided_slice %convert_element_type3A_44 {offsets = [2, 0], sizes = [1, 1920], strides = [1, 1]} : vector<9x1920xf32> to vector<1x1920xf32>
    %mul3A_164 = arith.mulf %slice3A_163, %convert_element_type3A_50 : vector<1x1920xf32>
    %slice3A_165 = vector.extract_strided_slice %convert_element_type3A_44 {offsets = [5, 0], sizes = [1, 1920], strides = [1, 1]} : vector<9x1920xf32> to vector<1x1920xf32>
    %mul3A_166 = arith.mulf %slice3A_165, %convert_element_type3A_56 : vector<1x1920xf32>
    %add3A_167 = arith.addf %mul3A_164, %mul3A_166 : vector<1x1920xf32>
    %slice3A_168 = vector.extract_strided_slice %convert_element_type3A_44 {offsets = [8, 0], sizes = [1, 1920], strides = [1, 1]} : vector<9x1920xf32> to vector<1x1920xf32>
    %mul3A_169 = arith.mulf %slice3A_168, %convert_element_type3A_62 : vector<1x1920xf32>
    %add3A_170 = arith.addf %add3A_167, %mul3A_169 : vector<1x1920xf32>
    %sub3A_171 = arith.subf %add3A_106, %add3A_138 : vector<1x1920xf32>
    %sub3A_172 = arith.subf %sub3A_171, %add3A_170 : vector<1x1920xf32>
    %add3A_173 = arith.constant 1.000000e+00 : f32
    %add3A_174 = vector.broadcast %add3A_173 : f32 to vector<1x1920xf32>
    %add3A_175 = arith.addf %add3A_174, %sub3A_172 : vector<1x1920xf32>
    %add3A_176 = arith.constant 1.000000e-10 : f32
    %add3A_177 = vector.broadcast %add3A_176 : f32 to vector<1x1920xf32>
    %add3A_178 = arith.addf %add3A_175, %add3A_177 : vector<1x1920xf32>
    %abs3A = math.absf %add3A_178 : vector<1x1920xf32>
    %sqrt3A_179 = math.sqrt %abs3A : vector<1x1920xf32>
    %mul3A_180 = arith.constant 5.000000e-01 : f32
    %mul3A_181 = vector.broadcast %mul3A_180 : f32 to vector<1x1920xf32>
    %mul3A_182 = arith.mulf %mul3A_181, %sqrt3A_179 : vector<1x1920xf32>
    %neg3A = arith.constant 0.000000e+00 : f32
    %neg3A_183 = vector.broadcast %neg3A : f32 to vector<1x1920xf32>
    %neg3A_184 = arith.subf %neg3A_183, %add3A_106 : vector<1x1920xf32>
    %add3A_185 = arith.addf %neg3A_184, %add3A_138 : vector<1x1920xf32>
    %sub3A_186 = arith.subf %add3A_185, %add3A_170 : vector<1x1920xf32>
    %add3A_187 = arith.constant 1.000000e+00 : f32
    %add3A_188 = vector.broadcast %add3A_187 : f32 to vector<1x1920xf32>
    %add3A_189 = arith.addf %add3A_188, %sub3A_186 : vector<1x1920xf32>
    %add3A_190 = arith.constant 1.000000e-10 : f32
    %add3A_191 = vector.broadcast %add3A_190 : f32 to vector<1x1920xf32>
    %add3A_192 = arith.addf %add3A_189, %add3A_191 : vector<1x1920xf32>
    %abs3A_193 = math.absf %add3A_192 : vector<1x1920xf32>
    %sqrt3A_194 = math.sqrt %abs3A_193 : vector<1x1920xf32>
    %mul3A_195 = arith.constant 5.000000e-01 : f32
    %mul3A_196 = vector.broadcast %mul3A_195 : f32 to vector<1x1920xf32>
    %mul3A_197 = arith.mulf %mul3A_196, %sqrt3A_194 : vector<1x1920xf32>
    %neg3A_198 = arith.constant 0.000000e+00 : f32
    %neg3A_199 = vector.broadcast %neg3A_198 : f32 to vector<1x1920xf32>
    %neg3A_200 = arith.subf %neg3A_199, %add3A_106 : vector<1x1920xf32>
    %sub3A_201 = arith.subf %neg3A_200, %add3A_138 : vector<1x1920xf32>
    %add3A_202 = arith.addf %sub3A_201, %add3A_170 : vector<1x1920xf32>
    %add3A_203 = arith.constant 1.000000e+00 : f32
    %add3A_204 = vector.broadcast %add3A_203 : f32 to vector<1x1920xf32>
    %add3A_205 = arith.addf %add3A_204, %add3A_202 : vector<1x1920xf32>
    %add3A_206 = arith.constant 1.000000e-10 : f32
    %add3A_207 = vector.broadcast %add3A_206 : f32 to vector<1x1920xf32>
    %add3A_208 = arith.addf %add3A_205, %add3A_207 : vector<1x1920xf32>
    %abs3A_209 = math.absf %add3A_208 : vector<1x1920xf32>
    %sqrt3A_210 = math.sqrt %abs3A_209 : vector<1x1920xf32>
    %mul3A_211 = arith.constant 5.000000e-01 : f32
    %mul3A_212 = vector.broadcast %mul3A_211 : f32 to vector<1x1920xf32>
    %mul3A_213 = arith.mulf %mul3A_212, %sqrt3A_210 : vector<1x1920xf32>
    %sub3A_214 = arith.subf %add3A_162, %add3A_146 : vector<1x1920xf32>
    %sign3A = tpu.bitcast %sub3A_214 : vector<1x1920xf32> -> vector<1x1920xi32>
    %sign3A_215 = arith.constant -2147483648 : i32
    %sign3A_216 = vector.broadcast %sign3A_215 : i32 to vector<1x1920xi32>
    %sign3A_217 = arith.andi %sign3A, %sign3A_216 : vector<1x1920xi32>
    %sign3A_218 = arith.constant 1065353216 : i32
    %sign3A_219 = vector.broadcast %sign3A_218 : i32 to vector<1x1920xi32>
    %sign3A_220 = arith.ori %sign3A_219, %sign3A_217 : vector<1x1920xi32>
    %sign3A_221 = tpu.bitcast %sign3A_220 : vector<1x1920xi32> -> vector<1x1920xf32>
    %sign3A_222 = math.absf %sub3A_214 : vector<1x1920xf32>
    %sign3A_223 = arith.constant 0.000000e+00 : f32
    %sign3A_224 = vector.broadcast %sign3A_223 : f32 to vector<1x1920xf32>
    %sign3A_225 = arith.cmpf ogt, %sign3A_222, %sign3A_224 : vector<1x1920xf32>
    %sign3A_226 = arith.select %sign3A_225, %sign3A_221, %sub3A_214 : vector<1x1920xi1>, vector<1x1920xf32>
    %mul3A_227 = arith.mulf %sign3A_226, %mul3A_182 : vector<1x1920xf32>
    %sub3A_228 = arith.subf %add3A_122, %add3A_154 : vector<1x1920xf32>
    %sign3A_229 = tpu.bitcast %sub3A_228 : vector<1x1920xf32> -> vector<1x1920xi32>
    %sign3A_230 = arith.constant -2147483648 : i32
    %sign3A_231 = vector.broadcast %sign3A_230 : i32 to vector<1x1920xi32>
    %sign3A_232 = arith.andi %sign3A_229, %sign3A_231 : vector<1x1920xi32>
    %sign3A_233 = arith.constant 1065353216 : i32
    %sign3A_234 = vector.broadcast %sign3A_233 : i32 to vector<1x1920xi32>
    %sign3A_235 = arith.ori %sign3A_234, %sign3A_232 : vector<1x1920xi32>
    %sign3A_236 = tpu.bitcast %sign3A_235 : vector<1x1920xi32> -> vector<1x1920xf32>
    %sign3A_237 = math.absf %sub3A_228 : vector<1x1920xf32>
    %sign3A_238 = arith.constant 0.000000e+00 : f32
    %sign3A_239 = vector.broadcast %sign3A_238 : f32 to vector<1x1920xf32>
    %sign3A_240 = arith.cmpf ogt, %sign3A_237, %sign3A_239 : vector<1x1920xf32>
    %sign3A_241 = arith.select %sign3A_240, %sign3A_236, %sub3A_228 : vector<1x1920xi1>, vector<1x1920xf32>
    %mul3A_242 = arith.mulf %sign3A_241, %mul3A_197 : vector<1x1920xf32>
    %sub3A_243 = arith.subf %add3A_130, %add3A_114 : vector<1x1920xf32>
    %sign3A_244 = tpu.bitcast %sub3A_243 : vector<1x1920xf32> -> vector<1x1920xi32>
    %sign3A_245 = arith.constant -2147483648 : i32
    %sign3A_246 = vector.broadcast %sign3A_245 : i32 to vector<1x1920xi32>
    %sign3A_247 = arith.andi %sign3A_244, %sign3A_246 : vector<1x1920xi32>
    %sign3A_248 = arith.constant 1065353216 : i32
    %sign3A_249 = vector.broadcast %sign3A_248 : i32 to vector<1x1920xi32>
    %sign3A_250 = arith.ori %sign3A_249, %sign3A_247 : vector<1x1920xi32>
    %sign3A_251 = tpu.bitcast %sign3A_250 : vector<1x1920xi32> -> vector<1x1920xf32>
    %sign3A_252 = math.absf %sub3A_243 : vector<1x1920xf32>
    %sign3A_253 = arith.constant 0.000000e+00 : f32
    %sign3A_254 = vector.broadcast %sign3A_253 : f32 to vector<1x1920xf32>
    %sign3A_255 = arith.cmpf ogt, %sign3A_252, %sign3A_254 : vector<1x1920xf32>
    %sign3A_256 = arith.select %sign3A_255, %sign3A_251, %sub3A_243 : vector<1x1920xi1>, vector<1x1920xf32>
    %mul3A_257 = arith.mulf %sign3A_256, %mul3A_213 : vector<1x1920xf32>
    %add3A_258 = arith.constant 1.000000e+00 : f32
    %add3A_259 = vector.broadcast %add3A_258 : f32 to vector<1x1920xf32>
    %add3A_260 = arith.addf %add3A_259, %add3A_106 : vector<1x1920xf32>
    %add3A_261 = arith.addf %add3A_260, %add3A_138 : vector<1x1920xf32>
    %add3A_262 = arith.addf %add3A_261, %add3A_170 : vector<1x1920xf32>
    %max3A_263 = arith.constant 0.000000e+00 : f32
    %max3A_264 = vector.broadcast %max3A_263 : f32 to vector<1x1920xf32>
    %max3A_265 = arith.maximumf %add3A_262, %max3A_264 : vector<1x1920xf32>
    %sqrt3A_266 = math.sqrt %max3A_265 : vector<1x1920xf32>
    %div3A_267 = arith.constant 2.000000e+00 : f32
    %div3A_268 = vector.broadcast %div3A_267 : f32 to vector<1x1920xf32>
    %div3A_269 = arith.divf %sqrt3A_266, %div3A_268 : vector<1x1920xf32>
    %mul3A_270 = arith.mulf %mul3A_227, %mul3A_227 : vector<1x1920xf32>
    %mul3A_271 = arith.mulf %mul3A_242, %mul3A_242 : vector<1x1920xf32>
    %add3A_272 = arith.addf %mul3A_270, %mul3A_271 : vector<1x1920xf32>
    %mul3A_273 = arith.mulf %mul3A_257, %mul3A_257 : vector<1x1920xf32>
    %add3A_274 = arith.addf %add3A_272, %mul3A_273 : vector<1x1920xf32>
    %mul3A_275 = arith.mulf %div3A_269, %div3A_269 : vector<1x1920xf32>
    %add3A_276 = arith.addf %add3A_274, %mul3A_275 : vector<1x1920xf32>
    %sqrt3A_277 = math.sqrt %add3A_276 : vector<1x1920xf32>
    %max3A_278 = arith.constant 9.99999996E-13 : f32
    %max3A_279 = vector.broadcast %max3A_278 : f32 to vector<1x1920xf32>
    %max3A_280 = arith.maximumf %sqrt3A_277, %max3A_279 : vector<1x1920xf32>
    %div3A_281 = arith.divf %mul3A_227, %max3A_280 : vector<1x1920xf32>
    %div3A_282 = arith.divf %mul3A_242, %max3A_280 : vector<1x1920xf32>
    %div3A_283 = arith.divf %mul3A_257, %max3A_280 : vector<1x1920xf32>
    %div3A_284 = arith.divf %div3A_269, %max3A_280 : vector<1x1920xf32>
    %get3A_285 = arith.constant 0 : index
    %get3A_286 = arith.constant 0 : index
    %get3A_287 = arith.constant 0 : index
    %get3A_288 = vector.load %arg2[%get3A_285, %get3A_286, %get3A_287] : memref<1x1x1920xf32, #tpu.memory_space<vmem>>, vector<1x1x1920xf32>
    %get3A_289 = vector.shape_cast %get3A_288 : vector<1x1x1920xf32> to vector<1x1920xf32>
    %sub3A_290 = arith.constant 0.000000e+00 : f32
    %sub3A_291 = vector.broadcast %sub3A_290 : f32 to vector<1x1920xf32>
    %sub3A_292 = arith.subf %get3A_289, %sub3A_291 : vector<1x1920xf32>
    %div3A_293 = arith.constant 1.250000e+00 : f32
    %div3A_294 = vector.broadcast %div3A_293 : f32 to vector<1x1920xf32>
    %div3A_295 = arith.divf %sub3A_292, %div3A_294 : vector<1x1920xf32>
    %integer_pow3A_296 = arith.mulf %div3A_295, %div3A_295 : vector<1x1920xf32>
    %neg3A_297 = arith.constant 0.000000e+00 : f32
    %neg3A_298 = vector.broadcast %neg3A_297 : f32 to vector<1x1920xf32>
    %neg3A_299 = arith.subf %neg3A_298, %integer_pow3A_296 : vector<1x1920xf32>
    %exp3A = math.exp %neg3A_299 : vector<1x1920xf32>
    %sub3A_300 = arith.constant 1.33333337 : f32
    %sub3A_301 = vector.broadcast %sub3A_300 : f32 to vector<1x1920xf32>
    %sub3A_302 = arith.subf %get3A_289, %sub3A_301 : vector<1x1920xf32>
    %div3A_303 = arith.constant 1.250000e+00 : f32
    %div3A_304 = vector.broadcast %div3A_303 : f32 to vector<1x1920xf32>
    %div3A_305 = arith.divf %sub3A_302, %div3A_304 : vector<1x1920xf32>
    %integer_pow3A_306 = arith.mulf %div3A_305, %div3A_305 : vector<1x1920xf32>
    %neg3A_307 = arith.constant 0.000000e+00 : f32
    %neg3A_308 = vector.broadcast %neg3A_307 : f32 to vector<1x1920xf32>
    %neg3A_309 = arith.subf %neg3A_308, %integer_pow3A_306 : vector<1x1920xf32>
    %exp3A_310 = math.exp %neg3A_309 : vector<1x1920xf32>
    %sub3A_311 = arith.constant 2.66666675 : f32
    %sub3A_312 = vector.broadcast %sub3A_311 : f32 to vector<1x1920xf32>
    %sub3A_313 = arith.subf %get3A_289, %sub3A_312 : vector<1x1920xf32>
    %div3A_314 = arith.constant 1.250000e+00 : f32
    %div3A_315 = vector.broadcast %div3A_314 : f32 to vector<1x1920xf32>
    %div3A_316 = arith.divf %sub3A_313, %div3A_315 : vector<1x1920xf32>
    %integer_pow3A_317 = arith.mulf %div3A_316, %div3A_316 : vector<1x1920xf32>
    %neg3A_318 = arith.constant 0.000000e+00 : f32
    %neg3A_319 = vector.broadcast %neg3A_318 : f32 to vector<1x1920xf32>
    %neg3A_320 = arith.subf %neg3A_319, %integer_pow3A_317 : vector<1x1920xf32>
    %exp3A_321 = math.exp %neg3A_320 : vector<1x1920xf32>
    %sub3A_322 = arith.constant 4.000000e+00 : f32
    %sub3A_323 = vector.broadcast %sub3A_322 : f32 to vector<1x1920xf32>
    %sub3A_324 = arith.subf %get3A_289, %sub3A_323 : vector<1x1920xf32>
    %div3A_325 = arith.constant 1.250000e+00 : f32
    %div3A_326 = vector.broadcast %div3A_325 : f32 to vector<1x1920xf32>
    %div3A_327 = arith.divf %sub3A_324, %div3A_326 : vector<1x1920xf32>
    %integer_pow3A_328 = arith.mulf %div3A_327, %div3A_327 : vector<1x1920xf32>
    %neg3A_329 = arith.constant 0.000000e+00 : f32
    %neg3A_330 = vector.broadcast %neg3A_329 : f32 to vector<1x1920xf32>
    %neg3A_331 = arith.subf %neg3A_330, %integer_pow3A_328 : vector<1x1920xf32>
    %exp3A_332 = math.exp %neg3A_331 : vector<1x1920xf32>
    %sub3A_333 = arith.constant 5.33333349 : f32
    %sub3A_334 = vector.broadcast %sub3A_333 : f32 to vector<1x1920xf32>
    %sub3A_335 = arith.subf %get3A_289, %sub3A_334 : vector<1x1920xf32>
    %div3A_336 = arith.constant 1.250000e+00 : f32
    %div3A_337 = vector.broadcast %div3A_336 : f32 to vector<1x1920xf32>
    %div3A_338 = arith.divf %sub3A_335, %div3A_337 : vector<1x1920xf32>
    %integer_pow3A_339 = arith.mulf %div3A_338, %div3A_338 : vector<1x1920xf32>
    %neg3A_340 = arith.constant 0.000000e+00 : f32
    %neg3A_341 = vector.broadcast %neg3A_340 : f32 to vector<1x1920xf32>
    %neg3A_342 = arith.subf %neg3A_341, %integer_pow3A_339 : vector<1x1920xf32>
    %exp3A_343 = math.exp %neg3A_342 : vector<1x1920xf32>
    %sub3A_344 = arith.constant 6.66666651 : f32
    %sub3A_345 = vector.broadcast %sub3A_344 : f32 to vector<1x1920xf32>
    %sub3A_346 = arith.subf %get3A_289, %sub3A_345 : vector<1x1920xf32>
    %div3A_347 = arith.constant 1.250000e+00 : f32
    %div3A_348 = vector.broadcast %div3A_347 : f32 to vector<1x1920xf32>
    %div3A_349 = arith.divf %sub3A_346, %div3A_348 : vector<1x1920xf32>
    %integer_pow3A_350 = arith.mulf %div3A_349, %div3A_349 : vector<1x1920xf32>
    %neg3A_351 = arith.constant 0.000000e+00 : f32
    %neg3A_352 = vector.broadcast %neg3A_351 : f32 to vector<1x1920xf32>
    %neg3A_353 = arith.subf %neg3A_352, %integer_pow3A_350 : vector<1x1920xf32>
    %exp3A_354 = math.exp %neg3A_353 : vector<1x1920xf32>
    %sub3A_355 = arith.constant 8.000000e+00 : f32
    %sub3A_356 = vector.broadcast %sub3A_355 : f32 to vector<1x1920xf32>
    %sub3A_357 = arith.subf %get3A_289, %sub3A_356 : vector<1x1920xf32>
    %div3A_358 = arith.constant 1.250000e+00 : f32
    %div3A_359 = vector.broadcast %div3A_358 : f32 to vector<1x1920xf32>
    %div3A_360 = arith.divf %sub3A_357, %div3A_359 : vector<1x1920xf32>
    %integer_pow3A_361 = arith.mulf %div3A_360, %div3A_360 : vector<1x1920xf32>
    %neg3A_362 = arith.constant 0.000000e+00 : f32
    %neg3A_363 = vector.broadcast %neg3A_362 : f32 to vector<1x1920xf32>
    %neg3A_364 = arith.subf %neg3A_363, %integer_pow3A_361 : vector<1x1920xf32>
    %exp3A_365 = math.exp %neg3A_364 : vector<1x1920xf32>
    %sub3A_366 = arith.constant 9.33333301 : f32
    %sub3A_367 = vector.broadcast %sub3A_366 : f32 to vector<1x1920xf32>
    %sub3A_368 = arith.subf %get3A_289, %sub3A_367 : vector<1x1920xf32>
    %div3A_369 = arith.constant 1.250000e+00 : f32
    %div3A_370 = vector.broadcast %div3A_369 : f32 to vector<1x1920xf32>
    %div3A_371 = arith.divf %sub3A_368, %div3A_370 : vector<1x1920xf32>
    %integer_pow3A_372 = arith.mulf %div3A_371, %div3A_371 : vector<1x1920xf32>
    %neg3A_373 = arith.constant 0.000000e+00 : f32
    %neg3A_374 = vector.broadcast %neg3A_373 : f32 to vector<1x1920xf32>
    %neg3A_375 = arith.subf %neg3A_374, %integer_pow3A_372 : vector<1x1920xf32>
    %exp3A_376 = math.exp %neg3A_375 : vector<1x1920xf32>
    %sub3A_377 = arith.constant 10.666667 : f32
    %sub3A_378 = vector.broadcast %sub3A_377 : f32 to vector<1x1920xf32>
    %sub3A_379 = arith.subf %get3A_289, %sub3A_378 : vector<1x1920xf32>
    %div3A_380 = arith.constant 1.250000e+00 : f32
    %div3A_381 = vector.broadcast %div3A_380 : f32 to vector<1x1920xf32>
    %div3A_382 = arith.divf %sub3A_379, %div3A_381 : vector<1x1920xf32>
    %integer_pow3A_383 = arith.mulf %div3A_382, %div3A_382 : vector<1x1920xf32>
    %neg3A_384 = arith.constant 0.000000e+00 : f32
    %neg3A_385 = vector.broadcast %neg3A_384 : f32 to vector<1x1920xf32>
    %neg3A_386 = arith.subf %neg3A_385, %integer_pow3A_383 : vector<1x1920xf32>
    %exp3A_387 = math.exp %neg3A_386 : vector<1x1920xf32>
    %sub3A_388 = arith.constant 1.200000e+01 : f32
    %sub3A_389 = vector.broadcast %sub3A_388 : f32 to vector<1x1920xf32>
    %sub3A_390 = arith.subf %get3A_289, %sub3A_389 : vector<1x1920xf32>
    %div3A_391 = arith.constant 1.250000e+00 : f32
    %div3A_392 = vector.broadcast %div3A_391 : f32 to vector<1x1920xf32>
    %div3A_393 = arith.divf %sub3A_390, %div3A_392 : vector<1x1920xf32>
    %integer_pow3A_394 = arith.mulf %div3A_393, %div3A_393 : vector<1x1920xf32>
    %neg3A_395 = arith.constant 0.000000e+00 : f32
    %neg3A_396 = vector.broadcast %neg3A_395 : f32 to vector<1x1920xf32>
    %neg3A_397 = arith.subf %neg3A_396, %integer_pow3A_394 : vector<1x1920xf32>
    %exp3A_398 = math.exp %neg3A_397 : vector<1x1920xf32>
    %sub3A_399 = arith.constant 13.333333 : f32
    %sub3A_400 = vector.broadcast %sub3A_399 : f32 to vector<1x1920xf32>
    %sub3A_401 = arith.subf %get3A_289, %sub3A_400 : vector<1x1920xf32>
    %div3A_402 = arith.constant 1.250000e+00 : f32
    %div3A_403 = vector.broadcast %div3A_402 : f32 to vector<1x1920xf32>
    %div3A_404 = arith.divf %sub3A_401, %div3A_403 : vector<1x1920xf32>
    %integer_pow3A_405 = arith.mulf %div3A_404, %div3A_404 : vector<1x1920xf32>
    %neg3A_406 = arith.constant 0.000000e+00 : f32
    %neg3A_407 = vector.broadcast %neg3A_406 : f32 to vector<1x1920xf32>
    %neg3A_408 = arith.subf %neg3A_407, %integer_pow3A_405 : vector<1x1920xf32>
    %exp3A_409 = math.exp %neg3A_408 : vector<1x1920xf32>
    %sub3A_410 = arith.constant 14.666667 : f32
    %sub3A_411 = vector.broadcast %sub3A_410 : f32 to vector<1x1920xf32>
    %sub3A_412 = arith.subf %get3A_289, %sub3A_411 : vector<1x1920xf32>
    %div3A_413 = arith.constant 1.250000e+00 : f32
    %div3A_414 = vector.broadcast %div3A_413 : f32 to vector<1x1920xf32>
    %div3A_415 = arith.divf %sub3A_412, %div3A_414 : vector<1x1920xf32>
    %integer_pow3A_416 = arith.mulf %div3A_415, %div3A_415 : vector<1x1920xf32>
    %neg3A_417 = arith.constant 0.000000e+00 : f32
    %neg3A_418 = vector.broadcast %neg3A_417 : f32 to vector<1x1920xf32>
    %neg3A_419 = arith.subf %neg3A_418, %integer_pow3A_416 : vector<1x1920xf32>
    %exp3A_420 = math.exp %neg3A_419 : vector<1x1920xf32>
    %sub3A_421 = arith.constant 1.600000e+01 : f32
    %sub3A_422 = vector.broadcast %sub3A_421 : f32 to vector<1x1920xf32>
    %sub3A_423 = arith.subf %get3A_289, %sub3A_422 : vector<1x1920xf32>
    %div3A_424 = arith.constant 1.250000e+00 : f32
    %div3A_425 = vector.broadcast %div3A_424 : f32 to vector<1x1920xf32>
    %div3A_426 = arith.divf %sub3A_423, %div3A_425 : vector<1x1920xf32>
    %integer_pow3A_427 = arith.mulf %div3A_426, %div3A_426 : vector<1x1920xf32>
    %neg3A_428 = arith.constant 0.000000e+00 : f32
    %neg3A_429 = vector.broadcast %neg3A_428 : f32 to vector<1x1920xf32>
    %neg3A_430 = arith.subf %neg3A_429, %integer_pow3A_427 : vector<1x1920xf32>
    %exp3A_431 = math.exp %neg3A_430 : vector<1x1920xf32>
    %sub3A_432 = arith.constant 17.333334 : f32
    %sub3A_433 = vector.broadcast %sub3A_432 : f32 to vector<1x1920xf32>
    %sub3A_434 = arith.subf %get3A_289, %sub3A_433 : vector<1x1920xf32>
    %div3A_435 = arith.constant 1.250000e+00 : f32
    %div3A_436 = vector.broadcast %div3A_435 : f32 to vector<1x1920xf32>
    %div3A_437 = arith.divf %sub3A_434, %div3A_436 : vector<1x1920xf32>
    %integer_pow3A_438 = arith.mulf %div3A_437, %div3A_437 : vector<1x1920xf32>
    %neg3A_439 = arith.constant 0.000000e+00 : f32
    %neg3A_440 = vector.broadcast %neg3A_439 : f32 to vector<1x1920xf32>
    %neg3A_441 = arith.subf %neg3A_440, %integer_pow3A_438 : vector<1x1920xf32>
    %exp3A_442 = math.exp %neg3A_441 : vector<1x1920xf32>
    %sub3A_443 = arith.constant 18.666666 : f32
    %sub3A_444 = vector.broadcast %sub3A_443 : f32 to vector<1x1920xf32>
    %sub3A_445 = arith.subf %get3A_289, %sub3A_444 : vector<1x1920xf32>
    %div3A_446 = arith.constant 1.250000e+00 : f32
    %div3A_447 = vector.broadcast %div3A_446 : f32 to vector<1x1920xf32>
    %div3A_448 = arith.divf %sub3A_445, %div3A_447 : vector<1x1920xf32>
    %integer_pow3A_449 = arith.mulf %div3A_448, %div3A_448 : vector<1x1920xf32>
    %neg3A_450 = arith.constant 0.000000e+00 : f32
    %neg3A_451 = vector.broadcast %neg3A_450 : f32 to vector<1x1920xf32>
    %neg3A_452 = arith.subf %neg3A_451, %integer_pow3A_449 : vector<1x1920xf32>
    %exp3A_453 = math.exp %neg3A_452 : vector<1x1920xf32>
    %sub3A_454 = arith.constant 2.000000e+01 : f32
    %sub3A_455 = vector.broadcast %sub3A_454 : f32 to vector<1x1920xf32>
    %sub3A_456 = arith.subf %get3A_289, %sub3A_455 : vector<1x1920xf32>
    %div3A_457 = arith.constant 1.250000e+00 : f32
    %div3A_458 = vector.broadcast %div3A_457 : f32 to vector<1x1920xf32>
    %div3A_459 = arith.divf %sub3A_456, %div3A_458 : vector<1x1920xf32>
    %integer_pow3A_460 = arith.mulf %div3A_459, %div3A_459 : vector<1x1920xf32>
    %neg3A_461 = arith.constant 0.000000e+00 : f32
    %neg3A_462 = vector.broadcast %neg3A_461 : f32 to vector<1x1920xf32>
    %neg3A_463 = arith.subf %neg3A_462, %integer_pow3A_460 : vector<1x1920xf32>
    %exp3A_464 = math.exp %neg3A_463 : vector<1x1920xf32>
    %convert_element_type3A_465 = arith.sitofp %get3A_3 : vector<1x1920xi32> to vector<1x1920xf32>
    %get3A_466 = arith.constant 0 : index
    %get3A_467 = arith.constant 0 : index
    %get3A_468 = arith.constant 0 : index
    %get3A_469 = vector.load %arg4[%get3A_466, %get3A_467, %get3A_468] : memref<1x1x1920xf32, #tpu.memory_space<vmem>>, vector<1x1x1920xf32>
    %get3A_470 = vector.shape_cast %get3A_469 : vector<1x1x1920xf32> to vector<1x1920xf32>
    %sub3A_471 = arith.subf %convert_element_type3A_465, %get3A_470 : vector<1x1920xf32>
    %mul3A_472 = arith.constant 1.000000e+00 : f32
    %mul3A_473 = vector.broadcast %mul3A_472 : f32 to vector<1x1920xf32>
    %mul3A_474 = arith.mulf %sub3A_471, %mul3A_473 : vector<1x1920xf32>
    %cos3A = math.cos %mul3A_474 : vector<1x1920xf32>
    %mul3A_475 = arith.constant 0.316227764 : f32
    %mul3A_476 = vector.broadcast %mul3A_475 : f32 to vector<1x1920xf32>
    %mul3A_477 = arith.mulf %sub3A_471, %mul3A_476 : vector<1x1920xf32>
    %cos3A_478 = math.cos %mul3A_477 : vector<1x1920xf32>
    %mul3A_479 = arith.constant 1.000000e-01 : f32
    %mul3A_480 = vector.broadcast %mul3A_479 : f32 to vector<1x1920xf32>
    %mul3A_481 = arith.mulf %sub3A_471, %mul3A_480 : vector<1x1920xf32>
    %cos3A_482 = math.cos %mul3A_481 : vector<1x1920xf32>
    %mul3A_483 = arith.constant 0.0316227749 : f32
    %mul3A_484 = vector.broadcast %mul3A_483 : f32 to vector<1x1920xf32>
    %mul3A_485 = arith.mulf %sub3A_471, %mul3A_484 : vector<1x1920xf32>
    %cos3A_486 = math.cos %mul3A_485 : vector<1x1920xf32>
    %mul3A_487 = arith.constant 0.00999999977 : f32
    %mul3A_488 = vector.broadcast %mul3A_487 : f32 to vector<1x1920xf32>
    %mul3A_489 = arith.mulf %sub3A_471, %mul3A_488 : vector<1x1920xf32>
    %cos3A_490 = math.cos %mul3A_489 : vector<1x1920xf32>
    %mul3A_491 = arith.constant 0.00316227763 : f32
    %mul3A_492 = vector.broadcast %mul3A_491 : f32 to vector<1x1920xf32>
    %mul3A_493 = arith.mulf %sub3A_471, %mul3A_492 : vector<1x1920xf32>
    %cos3A_494 = math.cos %mul3A_493 : vector<1x1920xf32>
    %mul3A_495 = arith.constant 1.000000e-03 : f32
    %mul3A_496 = vector.broadcast %mul3A_495 : f32 to vector<1x1920xf32>
    %mul3A_497 = arith.mulf %sub3A_471, %mul3A_496 : vector<1x1920xf32>
    %cos3A_498 = math.cos %mul3A_497 : vector<1x1920xf32>
    %mul3A_499 = arith.constant 3.16227757E-4 : f32
    %mul3A_500 = vector.broadcast %mul3A_499 : f32 to vector<1x1920xf32>
    %mul3A_501 = arith.mulf %sub3A_471, %mul3A_500 : vector<1x1920xf32>
    %cos3A_502 = math.cos %mul3A_501 : vector<1x1920xf32>
    %mul3A_503 = arith.constant 1.000000e+00 : f32
    %mul3A_504 = vector.broadcast %mul3A_503 : f32 to vector<1x1920xf32>
    %mul3A_505 = arith.mulf %sub3A_471, %mul3A_504 : vector<1x1920xf32>
    %sin3A = math.sin %mul3A_505 : vector<1x1920xf32>
    %mul3A_506 = arith.constant 0.316227764 : f32
    %mul3A_507 = vector.broadcast %mul3A_506 : f32 to vector<1x1920xf32>
    %mul3A_508 = arith.mulf %sub3A_471, %mul3A_507 : vector<1x1920xf32>
    %sin3A_509 = math.sin %mul3A_508 : vector<1x1920xf32>
    %mul3A_510 = arith.constant 1.000000e-01 : f32
    %mul3A_511 = vector.broadcast %mul3A_510 : f32 to vector<1x1920xf32>
    %mul3A_512 = arith.mulf %sub3A_471, %mul3A_511 : vector<1x1920xf32>
    %sin3A_513 = math.sin %mul3A_512 : vector<1x1920xf32>
    %mul3A_514 = arith.constant 0.0316227749 : f32
    %mul3A_515 = vector.broadcast %mul3A_514 : f32 to vector<1x1920xf32>
    %mul3A_516 = arith.mulf %sub3A_471, %mul3A_515 : vector<1x1920xf32>
    %sin3A_517 = math.sin %mul3A_516 : vector<1x1920xf32>
    %mul3A_518 = arith.constant 0.00999999977 : f32
    %mul3A_519 = vector.broadcast %mul3A_518 : f32 to vector<1x1920xf32>
    %mul3A_520 = arith.mulf %sub3A_471, %mul3A_519 : vector<1x1920xf32>
    %sin3A_521 = math.sin %mul3A_520 : vector<1x1920xf32>
    %mul3A_522 = arith.constant 0.00316227763 : f32
    %mul3A_523 = vector.broadcast %mul3A_522 : f32 to vector<1x1920xf32>
    %mul3A_524 = arith.mulf %sub3A_471, %mul3A_523 : vector<1x1920xf32>
    %sin3A_525 = math.sin %mul3A_524 : vector<1x1920xf32>
    %mul3A_526 = arith.constant 1.000000e-03 : f32
    %mul3A_527 = vector.broadcast %mul3A_526 : f32 to vector<1x1920xf32>
    %mul3A_528 = arith.mulf %sub3A_471, %mul3A_527 : vector<1x1920xf32>
    %sin3A_529 = math.sin %mul3A_528 : vector<1x1920xf32>
    %mul3A_530 = arith.constant 3.16227757E-4 : f32
    %mul3A_531 = vector.broadcast %mul3A_530 : f32 to vector<1x1920xf32>
    %mul3A_532 = arith.mulf %sub3A_471, %mul3A_531 : vector<1x1920xf32>
    %sin3A_533 = math.sin %mul3A_532 : vector<1x1920xf32>
    %concatenate3A_534 = tpu.concatenate %cos3A, %cos3A_478, %cos3A_482, %cos3A_486, %cos3A_490, %cos3A_494, %cos3A_498, %cos3A_502, %sin3A, %sin3A_509, %sin3A_513, %sin3A_517, %sin3A_521, %sin3A_525, %sin3A_529, %sin3A_533, %exp3A, %exp3A_310, %exp3A_321, %exp3A_332, %exp3A_343, %exp3A_354, %exp3A_365, %exp3A_376, %exp3A_387, %exp3A_398, %exp3A_409, %exp3A_420, %exp3A_431, %exp3A_442, %exp3A_453, %exp3A_464, %div3A, %div3A_97, %div3A_98, %div3A_281, %div3A_282, %div3A_283, %div3A_284 in 0 : vector<1x1920xf32>, vector<1x1920xf32>, vector<1x1920xf32>, vector<1x1920xf32>, vector<1x1920xf32>, vector<1x1920xf32>, vector<1x1920xf32>, vector<1x1920xf32>, vector<1x1920xf32>, vector<1x1920xf32>, vector<1x1920xf32>, vector<1x1920xf32>, vector<1x1920xf32>, vector<1x1920xf32>, vector<1x1920xf32>, vector<1x1920xf32>, vector<1x1920xf32>, vector<1x1920xf32>, vector<1x1920xf32>, vector<1x1920xf32>, vector<1x1920xf32>, vector<1x1920xf32>, vector<1x1920xf32>, vector<1x1920xf32>, vector<1x1920xf32>, vector<1x1920xf32>, vector<1x1920xf32>, vector<1x1920xf32>, vector<1x1920xf32>, vector<1x1920xf32>, vector<1x1920xf32>, vector<1x1920xf32>, vector<1x1920xf32>, vector<1x1920xf32>, vector<1x1920xf32>, vector<1x1920xf32>, vector<1x1920xf32>, vector<1x1920xf32>, vector<1x1920xf32> -> vector<39x1920xf32>
    %get3A_535 = arith.constant 0 : index
    %get3A_536 = arith.constant 0 : index
    %get3A_537 = vector.load %arg9[%get3A_535, %get3A_536] : memref<256x39xf32, #tpu.memory_space<vmem>>, vector<256x39xf32>
    %dot_general3A_538 = arith.constant dense<0.000000e+00> : vector<256x1920xf32>
    %dot_general3A_539 = tpu.matmul %get3A_537, %concatenate3A_534, %dot_general3A_538 {dimension_numbers = #tpu.dot_dimension_numbers<[1], [0], [0], [1], [0, 0, 1, 1], [], []>, transpose_lhs_hint = false} : vector<256x39xf32>, vector<39x1920xf32>, vector<256x1920xf32> -> vector<256x1920xf32>
    %get3A_540 = arith.constant 0 : index
    %get3A_541 = arith.constant 0 : index
    %get3A_542 = vector.load %arg10[%get3A_540, %get3A_541] : memref<256x1xf32, #tpu.memory_space<vmem>>, vector<256x1xf32>
    %add3A_543 = vector.broadcast %get3A_542 : vector<256x1xf32> to vector<256x1920xf32>
    %add3A_544 = arith.addf %dot_general3A_539, %add3A_543 : vector<256x1920xf32>
    %reduce_sum3A = arith.constant dense<0.000000e+00> : vector<1920xf32>
    %reduce_sum3A_545 = vector.multi_reduction <add>, %add3A_544, %reduce_sum3A [0] : vector<256x1920xf32> to vector<1920xf32>
    %broadcast_in_dim3A = vector.shape_cast %reduce_sum3A_545 : vector<1920xf32> to vector<1x1920xf32>
    %div3A_546 = arith.constant 2.560000e+02 : f32
    %div3A_547 = vector.broadcast %div3A_546 : f32 to vector<1x1920xf32>
    %div3A_548 = arith.divf %broadcast_in_dim3A, %div3A_547 : vector<1x1920xf32>
    %sub3A_549 = vector.broadcast %div3A_548 : vector<1x1920xf32> to vector<256x1920xf32>
    %sub3A_550 = arith.subf %add3A_544, %sub3A_549 : vector<256x1920xf32>
    %integer_pow3A_551 = arith.mulf %sub3A_550, %sub3A_550 : vector<256x1920xf32>
    %reduce_sum3A_552 = arith.constant dense<0.000000e+00> : vector<1920xf32>
    %reduce_sum3A_553 = vector.multi_reduction <add>, %integer_pow3A_551, %reduce_sum3A_552 [0] : vector<256x1920xf32> to vector<1920xf32>
    %broadcast_in_dim3A_554 = vector.shape_cast %reduce_sum3A_553 : vector<1920xf32> to vector<1x1920xf32>
    %div3A_555 = arith.constant 2.560000e+02 : f32
    %div3A_556 = vector.broadcast %div3A_555 : f32 to vector<1x1920xf32>
    %div3A_557 = arith.divf %broadcast_in_dim3A_554, %div3A_556 : vector<1x1920xf32>
    %sub3A_558 = vector.broadcast %div3A_548 : vector<1x1920xf32> to vector<256x1920xf32>
    %sub3A_559 = arith.subf %add3A_544, %sub3A_558 : vector<256x1920xf32>
    %add3A_560 = arith.constant 9.99999974E-6 : f32
    %add3A_561 = vector.broadcast %add3A_560 : f32 to vector<1x1920xf32>
    %add3A_562 = arith.addf %div3A_557, %add3A_561 : vector<1x1920xf32>
    %sqrt3A_563 = math.sqrt %add3A_562 : vector<1x1920xf32>
    %div3A_564 = vector.broadcast %sqrt3A_563 : vector<1x1920xf32> to vector<256x1920xf32>
    %div3A_565 = arith.divf %sub3A_559, %div3A_564 : vector<256x1920xf32>
    %get3A_566 = arith.constant 0 : index
    %get3A_567 = arith.constant 0 : index
    %get3A_568 = vector.load %arg11[%get3A_566, %get3A_567] : memref<256x1xf32, #tpu.memory_space<vmem>>, vector<256x1xf32>
    %mul3A_569 = vector.broadcast %get3A_568 : vector<256x1xf32> to vector<256x1920xf32>
    %mul3A_570 = arith.mulf %div3A_565, %mul3A_569 : vector<256x1920xf32>
    %get3A_571 = arith.constant 0 : index
    %get3A_572 = arith.constant 0 : index
    %get3A_573 = vector.load %arg12[%get3A_571, %get3A_572] : memref<256x1xf32, #tpu.memory_space<vmem>>, vector<256x1xf32>
    %add3A_574 = vector.broadcast %get3A_573 : vector<256x1xf32> to vector<256x1920xf32>
    %add3A_575 = arith.addf %mul3A_570, %add3A_574 : vector<256x1920xf32>
    %swap3A = arith.constant 0 : index
    %swap3A_576 = arith.constant 0 : index
    %swap3A_577 = arith.constant 0 : index
    %swap3A_578 = vector.load %arg13[%swap3A, %swap3A_576, %swap3A_577] : memref<1x256x1920xf32, #tpu.memory_space<vmem>>, vector<1x256x1920xf32>
    %swap3A_579 = vector.shape_cast %swap3A_578 : vector<1x256x1920xf32> to vector<256x1920xf32>
    %swap3A_580 = vector.shape_cast %add3A_575 : vector<256x1920xf32> to vector<1x256x1920xf32>
    tpu.vector_store %arg13[%swap3A, %swap3A_576, %swap3A_577], %swap3A_580 {strides = array<i32>} : memref<1x256x1920xf32, #tpu.memory_space<vmem>>, vector<1x256x1920xf32>,
    return
  }
  func.func @transform_0(%arg0: i32, %arg1: i32) -> (i32, i32, i32) {
    %c0_i32 = arith.constant 0 : i32
    %c0_i32_0 = arith.constant 0 : i32
    return %arg0, %c0_i32, %arg1 : i32, i32, i32
  }
  func.func @transform_1(%arg0: i32, %arg1: i32) -> (i32, i32, i32) {
    %c0_i32 = arith.constant 0 : i32
    %c0_i32_0 = arith.constant 0 : i32
    return %arg0, %c0_i32, %arg1 : i32, i32, i32
  }
  func.func @transform_2(%arg0: i32, %arg1: i32) -> (i32, i32, i32) {
    %c0_i32 = arith.constant 0 : i32
    %c0_i32_0 = arith.constant 0 : i32
    %c0_i32_1 = arith.constant 0 : i32
    return %c0_i32, %c0_i32_0, %arg1 : i32, i32, i32
  }
  func.func @transform_3(%arg0: i32, %arg1: i32) -> (i32, i32, i32) {
    %c0_i32 = arith.constant 0 : i32
    %c0_i32_0 = arith.constant 0 : i32
    %c0_i32_1 = arith.constant 0 : i32
    return %arg0, %c0_i32, %c0_i32_0 : i32, i32, i32
  }
  func.func @transform_4(%arg0: i32, %arg1: i32) -> (i32, i32, i32) {
    %c0_i32 = arith.constant 0 : i32
    %c0_i32_0 = arith.constant 0 : i32
    %c0_i32_1 = arith.constant 0 : i32
    return %arg0, %c0_i32, %c0_i32_0 : i32, i32, i32
  }
  func.func @transform_5(%arg0: i32, %arg1: i32) -> (i32, i32, i32) {
    %c0_i32 = arith.constant 0 : i32
    %c0_i32_0 = arith.constant 0 : i32
    return %arg0, %c0_i32, %arg1 : i32, i32, i32
  }
  func.func @transform_6(%arg0: i32, %arg1: i32) -> (i32, i32, i32) {
    %c0_i32 = arith.constant 0 : i32
    %c0_i32_0 = arith.constant 0 : i32
    return %arg0, %c0_i32, %arg1 : i32, i32, i32
  }
  func.func @transform_7(%arg0: i32, %arg1: i32) -> (i32, i32) {
    %c0_i32 = arith.constant 0 : i32
    %c0_i32_0 = arith.constant 0 : i32
    %c0_i32_1 = arith.constant 0 : i32
    return %c0_i32, %c0_i32_0 : i32, i32
  }
  func.func @transform_8(%arg0: i32, %arg1: i32) -> (i32, i32) {
    %c0_i32 = arith.constant 0 : i32
    %c0_i32_0 = arith.constant 0 : i32
    %c0_i32_1 = arith.constant 0 : i32
    return %c0_i32, %c0_i32_0 : i32, i32
  }
  func.func @transform_9(%arg0: i32, %arg1: i32) -> (i32, i32) {
    %c0_i32 = arith.constant 0 : i32
    %c0_i32_0 = arith.constant 0 : i32
    %c0_i32_1 = arith.constant 0 : i32
    return %c0_i32, %c0_i32_0 : i32, i32
  }
  func.func @transform_10(%arg0: i32, %arg1: i32) -> (i32, i32) {
    %c0_i32 = arith.constant 0 : i32
    %c0_i32_0 = arith.constant 0 : i32
    %c0_i32_1 = arith.constant 0 : i32
    return %c0_i32, %c0_i32_0 : i32, i32
  }
  func.func @transform_11(%arg0: i32, %arg1: i32) -> (i32, i32, i32) {
    %c0_i32 = arith.constant 0 : i32
    %c0_i32_0 = arith.constant 0 : i32
    return %arg0, %c0_i32, %arg1 : i32, i32, i32
  }
}

</mosaic_0001>

<sc_bundles>
// kernel: sparse-core-data-format-call.1.cloned.1.call-start
scs
called_computation.1_lowered:
.L_overlay_start_0:
0x0: {  	s2 =	sld [smem:$0x3FD9]  }
0x1: {  	s3 =	sld [smem:$0x3FFE];
	_ =	sdelay $0x1  }
0x2: {  	s1 =	srdreg.scid  }
0x3: {  	s0 =	sand.u32 $0x1, s1  }
0x4: {  	s15 =	sshll.u32 s0, $0xA;
	s2 =	sadd.s32 s3, s2  }
0x5: {  	s2 =	sadd.s32 s2, s15  }
0x6: {  	[smem:$0x3FBE] =	sst s2  }
0x7: {  	_ = 	snop  }
0x8: {  	s2 =	sld [smem:$0x3FD0];
	_ =	sdelay $0x2  }
0x9: {  	s16 =	simm.s32 $0xA;
	s4 =	simm.s32 $0x10  }
0xa: {  	[smem:s4], [sflag:s16] =	dma.local [hbm:s2], $0x1  }
0xb: {  	_ =	swait.eq [sflag:s16], $0x1  }
0xc: {  	[sflag:s16] =	ssyncset.done $0x0  }
0xd: {  	[sflag:s16] =	ssyncadd.s32 $0xFFFFFFFF  }
0xe: {  	s17 =	sld [smem:$0x11];
	(tm) =	ssettm $0x1  }
0xf: {  	s18 =	sld [smem:$0x3FFB];
	_ =	sdelay $0x3  }
0x10: {  	_ =	strace s18  }
0x11: {  	s3 =	sld [smem:$0x3FFC];
	_ =	sdelay $0x3  }
0x12: {  	_ =	strace s3  }
0x13: {  	s3 =	sld [smem:$0x3FFD];
	_ =	sdelay $0x3  }
0x14: {  	_ =	strace s3  }
0x15: {  	_ =	strace $0x8FFFFFFF  }
0x16: {  	s19 =	sld [smem:$0x3FDB];
	_ =	sdelay $0x1  }
0x17: {  	s20 =	simm.s32 $_scs_section_size  }
0x18: {  	s5 =	simm.s32 $_size__tile_overlayer_lowered;
	s6 =	simm.s32 $_tile_overlayer_lowered  }
0x19: {  	s23 =	simm.s32 $0x1BFF;
	s22 =	sshll.u32 s6, $0x1;
	s3 =	sadd.s32 s20, s19  }
0x1a: {  	s7 =	simm.s32 $0x0;
	s21 =	sshll.u32 s5, $0x1;
	s5 =	sadd.s32 s22, s3  }
0x1b: {  	[timem:s7], [sflag:s23] =	dma.local [hbm:s5], s21  }
0x1c: {  	_ =	swait.ge [sflag:s23], s21  }
0x1d: {  	s4 =	ssub.s32 $0x0, s21;
	[sflag:s23] =	ssyncset.done $0x0  }
0x1e: {  	[sflag:s23] =	ssyncadd.s32 s4;
	_ =	sdelay $0x1  }
0x1f: {  	s24 =	simm.s32 $0x1B8B  }
0x20: {  	_ =	swait.ge [sflag:s24], $0x1  }
0x21: {  	[sflag:s24] =	ssyncset.done $0x0  }
0x22: {  	s26 =	simm.s32 $0x1B8E;
	s25 =	sld [smem:$0x3FFE];
	[sflag:s24] =	ssyncadd.s32 $0xFFFFFFFF  }
0x23: {  	s27 =	simm.s32 $execute0_lowered;
	[smem:$0x3FD2] =	sst s26  }
0x24: {  	s5 =	sshll.u32 s27, $0x1;
	_ =	strace $0x80000046;
	[dreg:$0x1] =	wrdreg $0xFFFFFFFF  }
0x25: {  	s28 =	simm.s32 $_size_execute0_lowered;
	s3 =	sadd.s32 s3, s5;
	[dreg:$0x0] =	wrdreg $0x0  }
0x26: {  	s5 =	sshll.u32 s28, $0x1;
	[dreg:$0x2] =	wrdreg s3  }
0x27: {  	[dreg:$0x3] =	wrdreg s5  }
0x28: {  	[dreg:$0x4] =	wrdreg $0xC0  }
0x29: {  	_ =	task [dreg:s7], $0x5FFFF  }
0x2a: {  	[dreg:$0x1] =	wrdreg $0xFFFFFFFF  }
0x2b: {  	[dreg:$0x0] =	wrdreg $0x60  }
0x2c: {  	[dreg:$0x2] =	wrdreg s17  }
0x2d: {  	[dreg:$0x3] =	wrdreg s25  }
0x2e: {  	[dreg:$0x4] =	wrdreg $0x9  }
0x2f: {  	_ =	task.clear_ibuf [dreg:s7], $0x5FFFF;
	_ =	strace $0x90000046  }
0x30: {  	s29 =	simm.s32 $0x9;
	_ =	strace $0x80000048  }
0x31: {  	_ =	swait.ge [sflag:s29], $0x1  }
0x32: {  	[sflag:s29] =	ssyncadd.s32 $0xFFFFFFFF  }
0x33: {  	_ =	strace $0x90000048  }
0x34: {  	_ =	sfence  }
0x35: {  	s30 =	sld [smem:$0x0];
	_ =	sdelay $0x2  }
0x36: {  	s31 =	sshll.u32 s1, $0xD;
	s1 =	sshrl.u32 s1, $0x2  }
0x37: {  	s3 =	sand.u32 $0x4000, s31;
	s1 =	sadd.s32 s1, s30  }
0x38: {  	s0 =	sor.u32 s3, s0;
	s1 =	sshll.u32 s1, $0x11  }
0x39: {  	s0 =	sor.u32 s1, s0  }
0x3a: {  	s0 =	sadd.s32 $0x8F2B, s0  }
0x3b: {  	[sflag:s0] =	ssyncadd.remote.s32 $0x1  }
0x3c: {  	_ =	sfence.sel $0xFFFF  }
0x3d: {  	[dreg:$0x0] =	wrdreg $0xFFFFFFFF;
	(pc) =	sbr.abs _section_cstart, $3  }
0x3e: {  	[dreg:$0x1] =	wrdreg $0xFFFFFFFF  }
0x3f: {  	_ =	task.clear_ibuf [dreg:s7], $0x2FFFF;
	_ =	strace $0x9FFFFFFF  }
0x40: {  	(tm) =	ssettm $0x7FFFFFFF  }
0x41: {  	_ =	shalt  }
tec
execute0_lowered:
.L_overlay_start_1:
0x0: {  	(tag) =	ssettag $0x1  }
0x1: {  	s0 =	stileid.u32;
	s1 =	srdreg.scid  }
0x2: {  	s7 =	rddreg [dreg:$0x1];
	s31 =	simm.s32 $0x2;
	s15 =	simm.s32 $0x0  }
0x3: {  	p0 =	por $0x0, $0x0;
	s10 =	simm.s32 $0x800;
	s16 =	simm.s32 $0x0  }
0x4: {  	s17 =	simm.s32 $0x0;
	s14 =	simm.s32 $0x0;
	s2 =	sshll.u32 s0, $0x4  }
0x5: {  	s3 =	sshll.u32 s1, $0x7;
	s1 =	rddreg [dreg:$0x0];
	s2 =	sand.u32 $0x80, s2  }
0x6: {  	s7 =	sadd.s32 $0x21C00, s7;
	s4 =	sand.u32 $0x80, s3;
	s30 =	ssub.s32 $0x100, s2  }
0x7: {  	s5 =	ssub.s32 $0x7800, s4;
	s11 =	smov.u32 s4;
	s6 =	sshrl.u32 s30, $0x8  }
0x8: {  	s3 =	sshrl.u32 s30, $0x7;
	s8 =	sshrl.u32 s5, $0x7;
	s5 =	sshrl.u32 s5, $0x8  }
.Ltmp0:
0x9: {  	s9 =	sand.u32 $0x1, s3;
	s8 =	sand.u32 $0x1, s8;
	(pc) =	sbr.rel .LBB1_1-.Ltmp0, $4  }
0xa: {  	s3 =	rddreg [dreg:$0x2];
	s6 =	sadd.s32 s6, s9;
	s8 =	sadd.s32 s5, s8  }
0xb: {  	_ =	strace $0x80000047;
	s5 =	simm.s32 $0x1;
	s6 =	smul.u32 s6, s8  }
0xc: {  	s12 =	smov.u32 s2;
	[sflag:s5] =	ssyncpa.u1 $0x0;
	s8 =	sand.u32 $0x7, s0  }
0xd: {  	[sflag:s31] =	ssyncpa.u1 $0x0;
	s13 =	smov.u32 s8;
	s9 =	sadd.s32 $0x1, s6  }
.LBB1_4:
0xe: {  	v5 =	vld [tilespmem:s21+$0xFFFFFFD0];
	[tilespmem:s20+$0x2040 ss:$0x81] =	vst.msk $0xffff, v1  }
0xf: {  	v58 =	vld [tilespmem:s21+$0xFFFFFFE0];
	[tilespmem:s20+$0x2850 ss:$0x81] =	vst.msk $0xffff, v2  }
0x10: {  	s22 =	sshra.s32 s22, $0x2;
	v59 =	vld [tilespmem:s21+$0xFFFFFFF0];
	[tilespmem:s20+$0x3060 ss:$0x81] =	vst.msk $0xffff, v3  }
0x11: {  	v60 =	vld [tilespmem:s21+$0x0];
	[tilespmem:s20+$0x0 ss:$0x81] =	vst.msk $0xffff, v0;
	s19 =	sadd.s32 s22, s19  }
0x12: {  	v61 =	vld [tilespmem:s21+$0x10];
	[tilespmem:s19+$0x3870 ss:$0x81] =	vst.msk $0xffff, v4  }
0x13: {  	v62 =	vld [tilespmem:s21+$0x20];
	[tilespmem:s19+$0x810 ss:$0x81] =	vst.msk $0xffff, v5  }
0x14: {  	v63 =	vld [tilespmem:s21+$0xFFFFFFC0];
	s17 =	sshll.u32 s17, $0x7;
	[tilespmem:s19+$0x1020 ss:$0x81] =	vst.msk $0xffff, v58  }
0x15: {  	s29 =	sand.u32 $0x78, s16;
	s30 =	sshll.u32 s16, $0x3;
	s17 =	sand.u32 $0x380, s17;
	[tilespmem:s19+$0x1830 ss:$0x81] =	vst.msk $0xffff, v59  }
0x16: {  	s21 =	sand.u32 $0x400, s30;
	s17 =	sor.u32 s29, s17;
	[tilespmem:s19+$0x2040 ss:$0x81] =	vst.msk $0xffff, v60  }
0x17: {  	s15 =	sshll.u32 s15, $0x8;
	s31 =	sand.u32 $0x7, s16;
	s17 =	sor.u32 s21, s17;
	[tilespmem:s19+$0x2850 ss:$0x81] =	vst.msk $0xffff, v61  }
0x18: {  	s15 =	sadd.s32 s7, s15;
	s16 =	sshll.u32 s31, $0x12;
	s17 =	sshrl.u32 s17, $0x3;
	[tilespmem:s19+$0x3060 ss:$0x81] =	vst.msk $0xffff, v62  }
0x19: {  	s16 =	sor.u32 $0x80, s16;
	[tilespmem:s19+$0x0 ss:$0x81] =	vst.msk $0xffff, v63;
	s15 =	sadd.s32 s17, s15  }
0x1a: {  	[hbm4b:s15+s16] =	stream.strided.scatter [tilespmem:s18], [sflag:$0x2], $0x4000, s10, s16, $0x20;
	[tilespmem:$0x10100] =	vst v63  }
.LBB1_5:
0x1b: {  	s18 =	sadd.s32 $0x100, s11  }
0x1c: {  	s15 =	sadd.s32 $0x100, s12;
	s19 =	smov.u32 s12;
	p2 =	sgt.s32 s18, $0x77FF  }
0x1d: {  	s19 =	smov.u32 @p2 s15  }
0x1e: {  	s21 =	smov.u32 s13;
	s15 =	sadd.s32 $0x8, s13;
	p3 =	sgt.s32 s19, $0xFF  }
0x1f: {  	s21 =	smov.u32 @p3 s15  }
0x20: {  	s18 =	smov.u32 @p2 s4;
	p2 =	sgt.s32 s21, $0x7  }
0x21: {  	p1 =	slt.u32 s14, $0x2;
	s21 =	smov.u32 @p2 s8;
	p2 =	sne.s32 s14, s9  }
.Ltmp1:
0x22: {  	s20 =	simm.s32 @!p1 $0x2;
	(pc) =	sbr.rel @!p2 .LBB1_6-.Ltmp1, $4  }
0x23: {  	s16 =	smov.u32 s12;
	s17 =	smov.u32 s13;
	_ =	swait.ge @!p1 [sflag:s20], $0x4000  }
0x24: {  	p0 =	por !p0, !p0;
	[sflag:s20] =	ssyncset.done @!p1 $0x0;
	s19 =	smov.u32 @p3 s2  }
0x25: {  	s15 =	smov.u32 s11;
	[sflag:s20] =	ssyncadd.s32 @!p1 $0xFFFFC000;
	s11 =	smov.u32 s18  }
0x26: {  	s12 =	smov.u32 s19;
	s14 =	sadd.s32 $0x1, s14;
	s13 =	smov.u32 s21  }
.LBB1_1:
0x27: {  	p1 =	sge.u32 s14, s6  }
0x28: {  	s18 =	sshrl.u32 @!p1 s12, $0x3  }
0x29: {  	s19 =	sshll.u32 @!p1 s11, $0x3;
	s20 =	sshll.u32 @!p1 s12, $0x7;
	s18 =	smul.u32 @!p1 $0x3C000, s18  }
0x2a: {  	s21 =	sand.u32 @!p1 $0x7F, s11;
	s19 =	sand.u32 @!p1 $0xFFFFFC00, s19;
	s20 =	sand.u32 @!p1 $0x380, s20  }
0x2b: {  	s18 =	sadd.s32 @!p1 s18, s19;
	s19 =	sor.u32 @!p1 s21, s20  }
0x2c: {  	s19 =	sor.u32 @!p1 s18, s19  }
0x2d: {  	s20 =	smulhi.u32 @!p1 $0x88888889, s19  }
0x2e: {  	s18 =	smulhi.u32 @!p1 $0x88888889, s18  }
0x2f: {  	s20 =	sshrl.u32 @!p1 s20, $0xE  }
0x30: {  	s31 =	sadd.s32 $0xFFFFFFFF, s14;
	s18 =	sshrl.u32 @!p1 s18, $0xE;
	s20 =	smul.u32 @!p1 $0x7800, s20  }
0x31: {  	s22 =	smul.u32 @!p1 $0xF0000, s13;
	s21 =	sxor.u32 @!p1 $0xFFFFFFFF, s14;
	s18 =	sand.u32 @!p1 $0xFF, s18  }
0x32: {  	s21 =	sshll.u32 @!p1 s21, $0xE;
	s18 =	smul.u32 @!p1 $0xF00, s18;
	s19 =	ssub.s32 @!p1 s19, s20  }
0x33: {  	s20 =	sand.u32 @!p1 $0x4000, s21;
	s21 =	sadd.s32 @!p1 s1, s22;
	s22 =	sand.u32 @!p1 $0x7, s19  }
0x34: {  	s19 =	sshrl.u32 @!p1 s19, $0x3;
	s18 =	sadd.s32 @!p1 s18, s21;
	s21 =	sshll.u32 @!p1 s22, $0x12  }
0x35: {  	s18 =	sadd.s32 @!p1 s19, s18;
	s19 =	sor.u32 @!p1 $0x400, s21;
	s21 =	simm.s32 @!p1 $0x3C000  }
0x36: {  	[tilespmem:s20], [sflag:$0x1] =	stream.strided.gather @!p1 [hbm4b:s18+s19], $0x4000, s21, s19, $0x38;
	[tilespmem:$0x10100] =	vst v63  }
0x37: {  	p1 =	sge.u32 s31, s6  }
.Ltmp2:
0x38: {  	_ = 	snop;
	(pc) =	sbr.rel @p1 .LBB1_5-.Ltmp2, $1  }
0x39: {  	_ =	sdelay $0x3  }
0x3a: {  	s18 =	simm.s32 $0x1  }
0x3b: {  	_ =	swait.ge [sflag:s5], $0x4000;
	s18 =	simm.s32 @!p0 $0x0  }
0x3c: {  	[sflag:s5] =	ssyncset.done $0x0;
	s19 =	sshll.u32 s18, $0xE  }
0x3d: {  	[sflag:s5] =	ssyncadd.s32 $0xFFFFC000;
	s21 =	sor.u32 $0x40, s19  }
0x3e: {  	s18 =	smul.u32 $0x10200, s18;
	v0 =	vld [tilespmem:s21+$0x30]  }
0x3f: {  	v3 =	vld [tilespmem:s21+$0xFFFFFFD0]  }
0x40: {  	s18 =	sshrl.u32 s18, $0x2;
	v4 =	vld [tilespmem:s21+$0xFFFFFFE0]  }
0x41: {  	v5 =	vld [tilespmem:s21+$0xFFFFFFF0];
	s19 =	sor.u32 $0x8000, s18  }
0x42: {  	s31 =	sand.u32 $0x1, s14;
	v1 =	vld [tilespmem:s21+$0x0];
	s20 =	sadd.s32 $0x0, s19  }
0x43: {  	v2 =	vld [tilespmem:s21+$0x10];
	s18 =	smul.u32 $0x10200, s31;
	[tilespmem:s20+$0x3870 ss:$0x81] =	vst.msk $0xffff, v0  }
0x44: {  	[tilespmem:s20+$0x810 ss:$0x81] =	vst.msk $0xffff, v3;
	v3 =	vld [tilespmem:s21+$0x20]  }
0x45: {  	s18 =	sshrl.u32 s18, $0x2;
	v0 =	vld [tilespmem:s21+$0xFFFFFFC0];
	[tilespmem:s20+$0x1020 ss:$0x81] =	vst.msk $0xffff, v4;
	s21 =	sadd.s32 $0x80, s21  }
0x46: {  	s22 =	simm.s32 $0x4;
	s23 =	simm.s32 $0x8;
	s18 =	sor.u32 $0x8000, s18;
	[tilespmem:s20+$0x1830 ss:$0x81] =	vst.msk $0xffff, v5;
	v4 =	vld [tilespmem:s21+$0x30]  }
.LBB1_3:
0x47: {  	p1 =	sne.s32 s23, $0x1FC;
	v5 =	vld [tilespmem:s21+$0xFFFFFFD0];
	[tilespmem:s20+$0x2040 ss:$0x81] =	vst.msk $0xffff, v1  }
0x48: {  	v6 =	vld [tilespmem:s21+$0xFFFFFFE0];
	[tilespmem:s20+$0x2850 ss:$0x81] =	vst.msk $0xffff, v2  }
0x49: {  	s24 =	sshra.s32 s22, $0x2;
	s22 =	smov.u32 s23;
	v7 =	vld [tilespmem:s21+$0xFFFFFFF0];
	[tilespmem:s20+$0x3060 ss:$0x81] =	vst.msk $0xffff, v3  }
.Ltmp3:
0x4a: {  	v1 =	vld [tilespmem:s21+$0x0];
	[tilespmem:s20+$0x0 ss:$0x81] =	vst.msk $0xffff, v0;
	s20 =	sadd.s32 s24, s19;
	(pc) =	sbr.rel @p1 .LBB1_3-.Ltmp3, $4  }
0x4b: {  	v2 =	vld [tilespmem:s21+$0x10];
	[tilespmem:s20+$0x3870 ss:$0x81] =	vst.msk $0xffff, v4  }
0x4c: {  	[tilespmem:s20+$0x810 ss:$0x81] =	vst.msk $0xffff, v5;
	v3 =	vld [tilespmem:s21+$0x20]  }
0x4d: {  	v0 =	vld [tilespmem:s21+$0xFFFFFFC0];
	[tilespmem:s20+$0x1020 ss:$0x81] =	vst.msk $0xffff, v6;
	s21 =	sadd.s32 $0x80, s21  }
0x4e: {  	s23 =	sadd.s32 $0x4, s23;
	v4 =	vld [tilespmem:s21+$0x30];
	[tilespmem:s20+$0x1830 ss:$0x81] =	vst.msk $0xffff, v7  }
.Ltmp4:
0x4f: {  	_ = 	snop;
	(pc) =	sbr.rel .LBB1_4-.Ltmp4, $1  }
0x50: {  	_ =	sdelay $0x3  }
.LBB1_6:
0x51: {  	_ =	sfence.sel $0x180000  }
0x52: {  	s1 =	simm.s32 $0x1;
	[bflag:$0x0] =	sbarrier.arrive $0xFFFF  }
0x53: {  	s31 =	simm.s32 $0x2;
	[sflag:s1] =	ssyncpa.u1 $0x1  }
0x54: {  	[sflag:s31] =	ssyncpa.u1 $0x1  }
0x55: {  	p0 =	sne.s32 s0, $0x0;
	_ =	strace $0x90000047  }
0x56: {  	s0 =	sadd.s32 @!p0 $0x100000, s3;
	[bflag:$0x2] =	sbarrier.arrive $0xFFFF  }
0x57: {  	[sflag:s0] =	ssyncadd.tile.s32 @!p0 $0x1;
	_ =	shalt  }
.Lfunc_end1:
_tile_overlayer_lowered:
.L_overlay_start_2:
0x58: {  	(tag) =	ssettag $0x2  }
0x59: {  	s0 =	rddreg [dreg:$0x0];
	s2 =	stileid.u32  }
0x5a: {  	s1 =	rddreg [dreg:$0x1];
	p0 =	sne.s32 s2, $0x0  }
0x5b: {  	s3 =	rddreg [dreg:$0x2];
	[bflag:$0x3] =	sbarrier.arrive $0xFFFF;
	s2 =	simm.s32 @!p0 $0x1C01  }
0x5c: {  	[timem:s3], [sflag:s2] =	dma.local @!p0 [hbm:s0], s1  }
0x5d: {  	s0 =	simm.s32 @!p0 $0x1  }
0x5e: {  	_ =	swait.ge @!p0 [sflag:s0], s1  }
0x5f: {  	s1 =	ssub.s32 @!p0 $0x0, s1;
	[sflag:s0] =	ssyncset.done @!p0 $0x0  }
0x60: {  	[sflag:s0] =	ssyncadd.s32 @!p0 s1  }
0x61: {  	[bflag:$0x3] =	sbarrier.arrive $0xFFFF  }
0x62: {  	_ =	shalt  }

// kernel: sparse-core-data-format-call.cloned.1.call-start
scs
called_computation_lowered:
.L_overlay_start_0:
0x0: {  	s2 =	sld [smem:$0x3FD9]  }
0x1: {  	s3 =	sld [smem:$0x3FFE];
	_ =	sdelay $0x1  }
0x2: {  	s1 =	srdreg.scid  }
0x3: {  	s0 =	sand.u32 $0x1, s1  }
0x4: {  	s15 =	sshll.u32 s0, $0xA;
	s2 =	sadd.s32 s3, s2  }
0x5: {  	s2 =	sadd.s32 s2, s15  }
0x6: {  	[smem:$0x3FBE] =	sst s2  }
0x7: {  	_ = 	snop  }
0x8: {  	s2 =	sld [smem:$0x3FD0];
	_ =	sdelay $0x2  }
0x9: {  	s16 =	simm.s32 $0xA;
	s4 =	simm.s32 $0x10  }
0xa: {  	[smem:s4], [sflag:s16] =	dma.local [hbm:s2], $0x1  }
0xb: {  	_ =	swait.eq [sflag:s16], $0x1  }
0xc: {  	[sflag:s16] =	ssyncset.done $0x0  }
0xd: {  	[sflag:s16] =	ssyncadd.s32 $0xFFFFFFFF  }
0xe: {  	s17 =	sld [smem:$0x11];
	(tm) =	ssettm $0x1  }
0xf: {  	s18 =	sld [smem:$0x3FFB];
	_ =	sdelay $0x3  }
0x10: {  	_ =	strace s18  }
0x11: {  	s3 =	sld [smem:$0x3FFC];
	_ =	sdelay $0x3  }
0x12: {  	_ =	strace s3  }
0x13: {  	s3 =	sld [smem:$0x3FFD];
	_ =	sdelay $0x3  }
0x14: {  	_ =	strace s3  }
0x15: {  	_ =	strace $0x8FFFFFFF  }
0x16: {  	s19 =	sld [smem:$0x3FDB];
	_ =	sdelay $0x1  }
0x17: {  	s20 =	simm.s32 $_scs_section_size  }
0x18: {  	s5 =	simm.s32 $_size__tile_overlayer_lowered;
	s6 =	simm.s32 $_tile_overlayer_lowered  }
0x19: {  	s23 =	simm.s32 $0x1BFF;
	s22 =	sshll.u32 s6, $0x1;
	s3 =	sadd.s32 s20, s19  }
0x1a: {  	s7 =	simm.s32 $0x0;
	s21 =	sshll.u32 s5, $0x1;
	s5 =	sadd.s32 s22, s3  }
0x1b: {  	[timem:s7], [sflag:s23] =	dma.local [hbm:s5], s21  }
0x1c: {  	_ =	swait.ge [sflag:s23], s21  }
0x1d: {  	s4 =	ssub.s32 $0x0, s21;
	[sflag:s23] =	ssyncset.done $0x0  }
0x1e: {  	[sflag:s23] =	ssyncadd.s32 s4;
	_ =	sdelay $0x1  }
0x1f: {  	s24 =	simm.s32 $0x1B8B  }
0x20: {  	_ =	swait.ge [sflag:s24], $0x1  }
0x21: {  	[sflag:s24] =	ssyncset.done $0x0  }
0x22: {  	s26 =	simm.s32 $0x1B8E;
	s25 =	sld [smem:$0x3FFE];
	[sflag:s24] =	ssyncadd.s32 $0xFFFFFFFF  }
0x23: {  	s27 =	simm.s32 $execute0_lowered;
	[smem:$0x3FD2] =	sst s26  }
0x24: {  	s5 =	sshll.u32 s27, $0x1;
	_ =	strace $0x80000049;
	[dreg:$0x1] =	wrdreg $0xFFFFFFFF  }
0x25: {  	s28 =	simm.s32 $_size_execute0_lowered;
	s3 =	sadd.s32 s3, s5;
	[dreg:$0x0] =	wrdreg $0x0  }
0x26: {  	s5 =	sshll.u32 s28, $0x1;
	[dreg:$0x2] =	wrdreg s3  }
0x27: {  	[dreg:$0x3] =	wrdreg s5  }
0x28: {  	[dreg:$0x4] =	wrdreg $0xC0  }
0x29: {  	_ =	task [dreg:s7], $0x5FFFF  }
0x2a: {  	[dreg:$0x1] =	wrdreg $0xFFFFFFFF  }
0x2b: {  	[dreg:$0x0] =	wrdreg $0x60  }
0x2c: {  	[dreg:$0x2] =	wrdreg s25  }
0x2d: {  	[dreg:$0x3] =	wrdreg s17  }
0x2e: {  	[dreg:$0x4] =	wrdreg $0x9  }
0x2f: {  	_ =	task.clear_ibuf [dreg:s7], $0x5FFFF;
	_ =	strace $0x90000049  }
0x30: {  	s29 =	simm.s32 $0x9;
	_ =	strace $0x8000004B  }
0x31: {  	_ =	swait.ge [sflag:s29], $0x1  }
0x32: {  	[sflag:s29] =	ssyncadd.s32 $0xFFFFFFFF  }
0x33: {  	_ =	strace $0x9000004B  }
0x34: {  	_ =	sfence  }
0x35: {  	s30 =	sld [smem:$0x0];
	_ =	sdelay $0x2  }
0x36: {  	s31 =	sshll.u32 s1, $0xD;
	s1 =	sshrl.u32 s1, $0x2  }
0x37: {  	s3 =	sand.u32 $0x4000, s31;
	s1 =	sadd.s32 s1, s30  }
0x38: {  	s0 =	sor.u32 s3, s0;
	s1 =	sshll.u32 s1, $0x11  }
0x39: {  	s0 =	sor.u32 s1, s0  }
0x3a: {  	s0 =	sadd.s32 $0x8F2B, s0  }
0x3b: {  	[sflag:s0] =	ssyncadd.remote.s32 $0x1  }
0x3c: {  	_ =	sfence.sel $0xFFFF  }
0x3d: {  	[dreg:$0x0] =	wrdreg $0xFFFFFFFF;
	(pc) =	sbr.abs _section_cstart, $3  }
0x3e: {  	[dreg:$0x1] =	wrdreg $0xFFFFFFFF  }
0x3f: {  	_ =	task.clear_ibuf [dreg:s7], $0x2FFFF;
	_ =	strace $0x9FFFFFFF  }
0x40: {  	(tm) =	ssettm $0x7FFFFFFF  }
0x41: {  	_ =	shalt  }
tec
execute0_lowered:
.L_overlay_start_1:
0x0: {  	(tag) =	ssettag $0x1  }
0x1: {  	s0 =	srdreg.scid  }
0x2: {  	s1 =	sshll.u32 s0, $0x4  }
0x3: {  	s0 =	stileid.u32;
	s1 =	sand.u32 $0x10, s1  }
0x4: {  	s6 =	rddreg [dreg:$0x0];
	s4 =	simm.s32 $0x1;
	s1 =	sor.u32 s0, s1  }
0x5: {  	s7 =	simm.s32 $0x2;
	s14 =	simm.s32 $0x0;
	s2 =	sshll.u32 s1, $0x3  }
0x6: {  	s8 =	simm.s32 $0x800;
	s9 =	simm.s32 $0x780000;
	s1 =	ssub.s32 $0x400, s2  }
0x7: {  	s10 =	simm.s32 $0x0;
	s15 =	simm.s32 $0x0;
	s3 =	sand.u32 $0xF8, s1  }
0x8: {  	s11 =	simm.s32 $0x0;
	s5 =	sshrl.u32 s1, $0x8;
	p0 =	sne.s32 s3, $0x0  }
.Ltmp0:
0x9: {  	s1 =	rddreg [dreg:$0x2];
	s4 =	simm.s32 @!p0 $0x0;
	(pc) =	sbr.rel .LBB1_1-.Ltmp0, $4  }
0xa: {  	s13 =	simm.s32 $0x0;
	s3 =	rddreg [dreg:$0x1];
	s5 =	sadd.s32 s4, s5  }
0xb: {  	_ =	strace $0x8000004A;
	s4 =	simm.s32 $0x1;
	s5 =	smul.u32 $0x1E, s5  }
0xc: {  	s21 =	simm.s32 $0x0;
	s6 =	sadd.s32 $0x21C00, s6;
	[sflag:s4] =	ssyncpa.u1 $0x0  }
0xd: {  	s12 =	smov.u32 s2;
	[sflag:s7] =	ssyncpa.u1 $0x0;
	s7 =	sor.u32 $0x1, s5  }
.LBB1_7:
0xe: {  	s16 =	sadd.s32 $0x1, s11  }
0xf: {  	s14 =	sadd.s32 $0x100, s12;
	s18 =	smov.u32 s12;
	p1 =	sgt.s32 s16, $0x1D  }
0x10: {  	s18 =	smov.u32 @p1 s14  }
0x11: {  	s16 =	simm.s32 @p1 $0x0;
	p1 =	sgt.s32 s18, $0x3FF  }
0x12: {  	s18 =	smov.u32 @p1 s2;
	p1 =	sne.s32 s13, s7  }
.Ltmp1:
0x13: {  	p0 =	slt.u32 s13, $0x2;
	(pc) =	sbr.rel @!p1 .LBB1_8-.Ltmp1, $4  }
0x14: {  	s17 =	simm.s32 @!p0 $0x2  }
0x15: {  	s15 =	smov.u32 s12;
	s10 =	sadd.s32 $0x4000, s10;
	_ =	swait.ge @!p0 [sflag:s17], $0x4000  }
0x16: {  	s14 =	smov.u32 s11;
	[sflag:s17] =	ssyncset.done @!p0 $0x0;
	s11 =	smov.u32 s16  }
0x17: {  	s13 =	sadd.s32 $0x1, s13;
	[sflag:s17] =	ssyncadd.s32 @!p0 $0xFFFFC000;
	s12 =	smov.u32 s18  }
.LBB1_1:
0x18: {  	p0 =	sge.u32 s13, s5  }
0x19: {  	s17 =	smul.u32 @!p0 $0x1E00, s12  }
0x1a: {  	s31 =	sadd.s32 $0xFFFFFFFF, s13;
	s16 =	sxor.u32 @!p0 $0xFFFFFFFF, s13;
	s18 =	sshll.u32 @!p0 s11, $0x8  }
0x1b: {  	s19 =	simm.s32 @!p0 $0xF000;
	s16 =	sshll.u32 @!p0 s16, $0xE;
	s17 =	sadd.s32 @!p0 s6, s17  }
0x1c: {  	s16 =	sand.u32 @!p0 $0x4000, s16;
	s17 =	sadd.s32 @!p0 s18, s17;
	s18 =	simm.s32 @!p0 $0x800  }
0x1d: {  	[tilespmem:s16], [sflag:$0x1] =	stream.strided.gather @!p0 [hbm4b:s17+s18], $0x4000, s19, s18, $0x38;
	[tilespmem:$0x10000] =	vst v63  }
0x1e: {  	p0 =	sge.u32 s31, s5  }
.Ltmp2:
0x1f: {  	_ = 	snop;
	(pc) =	sbr.rel @p0 .LBB1_7-.Ltmp2, $1  }
0x20: {  	_ =	sdelay $0x3  }
0x21: {  	s16 =	sshll.u32 s10, $0x2;
	_ =	swait.ge [sflag:s4], $0x4000;
	s31 =	sshll.u32 s13, $0xE  }
0x22: {  	p0 =	por $0x0, $0x0;
	s22 =	simm.s32 $0x0;
	s23 =	simm.s32 $0x0  }
0x23: {  	s16 =	sand.u32 $0x10000, s16;
	[sflag:s4] =	ssyncset.done $0x0;
	s19 =	sand.u32 $0x4000, s31  }
0x24: {  	s20 =	sshrl.u32 s16, $0x2;
	[sflag:s4] =	ssyncadd.s32 $0xFFFFC000;
	s16 =	sor.u32 $0x8000, s19  }
0x25: {  	s17 =	sor.u32 $0x40, s20;
	s18 =	sor.u32 $0x8410, s20;
	s20 =	sadd.s32 $0x8400, s20  }
.LBB1_3:
0x26: {  	v1 =	vld [tilespmem:s17+$0xFFFFFFD0]  }
0x27: {  	v2 =	vld [tilespmem:s17+$0x430]  }
0x28: {  	s24 =	sshll.u32 s23, $0xB;
	v4 =	vld [tilespmem:s17+$0xFFFFFFE0]  }
0x29: {  	v7 =	vld [tilespmem:s17+$0xFFFFFFF0];
	v0 =	vmov s24  }
0x2a: {  	v8 =	vld [tilespmem:s17+$0x0]  }
0x2b: {  	s30 =	sand.u32 $0x300, s21;
	v9 =	vld [tilespmem:s17+$0x10]  }
0x2c: {  	s25 =	sand.u32 $0x80, s21;
	v10 =	vld [tilespmem:s17+$0x20];
	s24 =	sadd.s32 s30, s19  }
0x2d: {  	v11 =	vld [tilespmem:s17+$0x30];
	s24 =	sadd.s32 s25, s24;
	s25 =	simm.s32 $0x1;
	[tilespmem:s18+$0x60] =	vst v2  }
0x2e: {  	s31 =	sshll.u32 s22, $0x2;
	s25 =	simm.s32 @!p0 $0x0;
	[tilespmem:s18+$0xFFFFFC00] =	vst v1;
	v3 =	vld.idx.msk [tilespmem:v0+s24+$0x400 ss:$0x1], $0xffff  }
0x2f: {  	v6 =	vld [tilespmem:s17+$0x3D0];
	s25 =	sshll.u32 s25, $0x9;
	[tilespmem:s18+$0xFFFFFC10] =	vst v4;
	s24 =	sand.u32 $0xFFFFFC00, s31  }
0x30: {  	v5 =	vld [tilespmem:s17+$0x3E0];
	[tilespmem:s18+$0xFFFFFC20] =	vst v7;
	s24 =	sor.u32 s25, s24  }
0x31: {  	[tilespmem:s18+$0xFFFFFC30] =	vst v8;
	v4 =	vld [tilespmem:s17+$0x400];
	s24 =	sshrl.u32 s24, $0x2  }
0x32: {  	[tilespmem:s18+$0xFFFFFC40] =	vst v9;
	v1 =	vld [tilespmem:s17+$0x410];
	s24 =	sadd.s32 s24, s20  }
0x33: {  	[tilespmem:s24+$0x0] =	vst v3;
	v3 =	vld [tilespmem:s17+$0x3F0]  }
0x34: {  	s28 =	simm.s32 $0x80;
	s27 =	simm.s32 $0x100;
	[tilespmem:s18+$0xFFFFFC50] =	vst v10;
	v2 =	vld [tilespmem:s17+$0x420]  }
0x35: {  	s26 =	smov.u32 s18;
	s29 =	sand.u32 $0x300, s28;
	v7 =	vld [tilespmem:s17+$0xFFFFFFC0];
	[tilespmem:s18+$0xFFFFFC60] =	vst v11;
	s25 =	sadd.s32 $0x80, s17  }
.LBB1_4:
0x36: {  	p1 =	sne.s32 s27, $0x380;
	v8 =	vld [tilespmem:s25+$0xFFFFFFD0];
	s28 =	sand.u32 $0x80, s28;
	s29 =	sadd.s32 s29, s19;
	[tilespmem:s26+$0x0] =	vst v6  }
0x37: {  	s29 =	sadd.s32 s28, s29;
	v6 =	vld [tilespmem:s25+$0x430];
	[tilespmem:s26+$0x10] =	vst v5;
	s28 =	smov.u32 s27  }
0x38: {  	v5 =	vld.idx.msk [tilespmem:v0+s29+$0x400 ss:$0x1], $0xffff;
	[tilespmem:s26+$0x20] =	vst v3  }
0x39: {  	v3 =	vld [tilespmem:s25+$0xFFFFFFE0];
	[tilespmem:s26+$0x30] =	vst v4  }
0x3a: {  	v4 =	vld [tilespmem:s25+$0xFFFFFFF0];
	[tilespmem:s26+$0xFFFFFBF0] =	vst v7  }
0x3b: {  	v7 =	vld [tilespmem:s25+$0x0];
	[tilespmem:s26+$0x40] =	vst v1  }
0x3c: {  	v1 =	vld [tilespmem:s25+$0x10];
	[tilespmem:s26+$0x50] =	vst v2;
	s26 =	sadd.s32 $0x800, s26  }
0x3d: {  	s24 =	sadd.s32 $0x800, s24;
	v2 =	vld [tilespmem:s25+$0x20];
	[tilespmem:s26+$0x60] =	vst v6  }
0x3e: {  	v9 =	vld [tilespmem:s25+$0x30];
	[tilespmem:s24+$0x0] =	vst v5  }
0x3f: {  	[tilespmem:s26+$0xFFFFFC00] =	vst v8;
	v6 =	vld [tilespmem:s25+$0x3D0]  }
0x40: {  	[tilespmem:s26+$0xFFFFFC10] =	vst v3;
	v5 =	vld [tilespmem:s25+$0x3E0]  }
.Ltmp3:
0x41: {  	[tilespmem:s26+$0xFFFFFC20] =	vst v4;
	v3 =	vld [tilespmem:s25+$0x3F0];
	(pc) =	sbr.rel @p1 .LBB1_4-.Ltmp3, $4  }
0x42: {  	[tilespmem:s26+$0xFFFFFC30] =	vst v7;
	v4 =	vld [tilespmem:s25+$0x400]  }
0x43: {  	[tilespmem:s26+$0xFFFFFC40] =	vst v1;
	v1 =	vld [tilespmem:s25+$0x410]  }
0x44: {  	[tilespmem:s26+$0xFFFFFC50] =	vst v2;
	v2 =	vld [tilespmem:s25+$0x420]  }
0x45: {  	s27 =	sadd.s32 $0x80, s27;
	s29 =	sand.u32 $0x300, s28;
	v7 =	vld [tilespmem:s25+$0xFFFFFFC0];
	[tilespmem:s26+$0xFFFFFC60] =	vst v9;
	s25 =	sadd.s32 $0x80, s25  }
0x46: {  	[tilespmem:s26+$0x0] =	vst v6  }
0x47: {  	[tilespmem:s26+$0x10] =	vst v5  }
0x48: {  	v49 =	vld [tilespmem:s25+$0x430];
	[tilespmem:s26+$0x20] =	vst v3  }
0x49: {  	v50 =	vld [tilespmem:s25+$0xFFFFFFD0];
	[tilespmem:s26+$0x30] =	vst v4  }
0x4a: {  	v51 =	vld [tilespmem:s25+$0xFFFFFFE0];
	[tilespmem:s26+$0x40] =	vst v1  }
0x4b: {  	v52 =	vld [tilespmem:s25+$0xFFFFFFF0];
	[tilespmem:s26+$0x50] =	vst v2  }
0x4c: {  	s31 =	sadd.s32 $0x800, s26;
	v53 =	vld [tilespmem:s25+$0x0];
	[tilespmem:s26+$0xFFFFFBF0] =	vst v7  }
0x4d: {  	v54 =	vld [tilespmem:s25+$0x10];
	[tilespmem:s31+$0x60] =	vst v49  }
0x4e: {  	v55 =	vld [tilespmem:s25+$0x20];
	[tilespmem:s31+$0xFFFFFC00] =	vst v50  }
0x4f: {  	v56 =	vld [tilespmem:s25+$0x30];
	[tilespmem:s31+$0xFFFFFC10] =	vst v51  }
0x50: {  	v57 =	vld [tilespmem:s25+$0x3D0];
	[tilespmem:s31+$0xFFFFFC20] =	vst v52  }
0x51: {  	v58 =	vld [tilespmem:s25+$0x3E0];
	[tilespmem:s31+$0xFFFFFC30] =	vst v53  }
0x52: {  	v59 =	vld [tilespmem:s25+$0x3F0];
	[tilespmem:s31+$0xFFFFFC40] =	vst v54  }
0x53: {  	v60 =	vld [tilespmem:s25+$0x400];
	[tilespmem:s31+$0xFFFFFC50] =	vst v55  }
0x54: {  	v61 =	vld [tilespmem:s25+$0xFFFFFFC0];
	[tilespmem:s31+$0xFFFFFC60] =	vst v56  }
0x55: {  	s27 =	sand.u32 $0x80, s28;
	s30 =	sadd.s32 s29, s19;
	v62 =	vld [tilespmem:s25+$0x410];
	[tilespmem:s31+$0x0] =	vst v57  }
0x56: {  	v63 =	vld [tilespmem:s25+$0x420];
	s23 =	sadd.s32 $0x1, s23;
	s27 =	sadd.s32 s27, s30;
	[tilespmem:s31+$0x10] =	vst v58  }
0x57: {  	p1 =	sne.s32 s23, $0x8;
	v0 =	vld.idx.msk [tilespmem:v0+s27+$0x400 ss:$0x1], $0xffff;
	[tilespmem:s31+$0x20] =	vst v59  }
.Ltmp4:
0x58: {  	[tilespmem:s31+$0x30] =	vst v60;
	(pc) =	sbr.rel @p1 .LBB1_3-.Ltmp4, $4  }
0x59: {  	[tilespmem:s31+$0xFFFFFBF0] =	vst v61  }
0x5a: {  	[tilespmem:s31+$0x40] =	vst v62  }
0x5b: {  	s24 =	sadd.s32 $0x800, s24;
	s17 =	sadd.s32 $0x800, s17;
	[tilespmem:s31+$0x50] =	vst v63  }
0x5c: {  	s22 =	sadd.s32 $0x80, s22;
	p0 =	por !p0, !p0;
	s18 =	sadd.s32 $0x80, s18;
	[tilespmem:s24+$0x0] =	vst v0  }
0x5d: {  	s17 =	sshll.u32 s15, $0x8;
	s31 =	sshll.u32 s15, $0x7  }
.Ltmp5:
0x5e: {  	s17 =	sand.u32 $0x3F800, s17;
	s15 =	sand.u32 $0x380, s31;
	(pc) =	sbr.rel .LBB1_7-.Ltmp5, $4  }
0x5f: {  	s14 =	sshll.u32 s14, $0xF;
	s15 =	sor.u32 s15, s17  }
0x60: {  	s14 =	sadd.s32 s3, s14;
	s15 =	sshrl.u32 s15, $0x3  }
0x61: {  	s14 =	sadd.s32 s15, s14  }
0x62: {  	[hbm4b:s14+s8] =	stream.strided.scatter [tilespmem:s16], [sflag:$0x2], $0x4000, s9, s8, $0x38;
	[tilespmem:$0x10000] =	vst v63  }
.LBB1_8:
0x63: {  	_ =	sfence.sel $0x180000  }
0x64: {  	s2 =	simm.s32 $0x1;
	[bflag:$0x0] =	sbarrier.arrive $0xFFFF  }
0x65: {  	s31 =	simm.s32 $0x2;
	[sflag:s2] =	ssyncpa.u1 $0x1  }
0x66: {  	[sflag:s31] =	ssyncpa.u1 $0x1  }
0x67: {  	p0 =	sne.s32 s0, $0x0;
	_ =	strace $0x9000004A  }
0x68: {  	s0 =	sadd.s32 @!p0 $0x100000, s1;
	[bflag:$0x2] =	sbarrier.arrive $0xFFFF  }
0x69: {  	[sflag:s0] =	ssyncadd.tile.s32 @!p0 $0x1;
	_ =	shalt  }
.Lfunc_end1:
_tile_overlayer_lowered:
.L_overlay_start_2:
0x6a: {  	(tag) =	ssettag $0x2  }
0x6b: {  	s0 =	rddreg [dreg:$0x0];
	s2 =	stileid.u32  }
0x6c: {  	s1 =	rddreg [dreg:$0x1];
	p0 =	sne.s32 s2, $0x0  }
0x6d: {  	s3 =	rddreg [dreg:$0x2];
	[bflag:$0x3] =	sbarrier.arrive $0xFFFF;
	s2 =	simm.s32 @!p0 $0x1C01  }
0x6e: {  	[timem:s3], [sflag:s2] =	dma.local @!p0 [hbm:s0], s1  }
0x6f: {  	s0 =	simm.s32 @!p0 $0x1  }
0x70: {  	_ =	swait.ge @!p0 [sflag:s0], s1  }
0x71: {  	s1 =	ssub.s32 @!p0 $0x0, s1;
	[sflag:s0] =	ssyncset.done @!p0 $0x0  }
0x72: {  	[sflag:s0] =	ssyncadd.s32 @!p0 s1  }
0x73: {  	[bflag:$0x3] =	sbarrier.arrive $0xFFFF  }
0x74: {  	_ =	shalt  }

</sc_bundles>
